<compile_context>
chip_gen: v7x
topology: tpu7x:2x2x1
jax: 0.10.2.dev20260603
libtpu: 0.0.44.dev20260713+nightly
codegen_flags: <defaults>
</compile_context>

<pallas_src>
import functools

import jax
import jax.numpy as jnp
from jax import lax
from jax.experimental import pallas as pl
from jax.experimental.pallas import tpu as pltpu
from jax.experimental.pallas import tpu_sc as plsc

B, C, H, W = 32, 32, 224, 224

_mesh = plsc.VectorSubcoreMesh(core_axis_name="c", subcore_axis_name="s")


@functools.partial(
    pl.kernel,
    out_type=jax.ShapeDtypeStruct((B * C, H, W), jnp.float32),
    mesh=_mesh,
    scratch_types=[
        pltpu.VMEM((B + 16,), jnp.int32),
        pltpu.VMEM((1, H, W), jnp.float32),
        pltpu.SemaphoreType.DMA,
        pltpu.SemaphoreType.DMA,
    ],
)
def _sc_gather_bcast(tab_hbm, idx_hbm, out_hbm, idx_v, plane_v, gsem, wsem):
    wid = lax.axis_index("s") * 2 + lax.axis_index("c")
    pltpu.sync_copy(idx_hbm, idx_v.at[pl.ds(0, B)])
    src = wid * C + idx_v[pl.ds(wid, 16)][0]
    pltpu.async_copy(tab_hbm.at[pl.ds(src, 1)], plane_v, gsem).wait()
    NDIRECT = 4
    copies = [
        pltpu.async_copy(plane_v, out_hbm.at[pl.ds(wid * C + c, 1)], wsem)
        for c in range(C - NDIRECT)
    ]
    copies += [
        pltpu.async_copy(
            tab_hbm.at[pl.ds(src, 1)],
            out_hbm.at[pl.ds(wid * C + c, 1)], wsem)
        for c in range(C - NDIRECT, C)
    ]
    for cp in copies:
        cp.wait()


def kernel(logits, indices):
    tab = logits.reshape(B * C, H, W)
    idx = indices.astype(jnp.int32)
    out = _sc_gather_bcast(tab, idx)
    return out.reshape(B, C, H, W)

# --- scband reference (transcript-rebuilt; emitter-appended) ---
"""Pipeline reference for scband-trt-demo-2705829396824 (READ-ONLY COPY).

The authoritative reference and input builder live on the scoring server;
editing this copy changes nothing except your own understanding.
"""

import jax, jax.numpy as jnp
import numpy as np

B, C, H, W = 32, 32, 224, 224

def setup_inputs(seed: int = 0) -> dict:
    key = jax.random.key(seed)
    k1, k2 = jax.random.split(key)
    logits = jax.random.normal(k1, (B, C, H, W), dtype=jnp.float32)
    indices = jax.random.randint(k2, (B,), 0, C, dtype=jnp.int64 if jax.config.read('jax_enable_x64') else jnp.int32)
    return {"logits": logits, "indices": indices}

def reference(logits, indices):
    # index = indices.view(-1,1,1,1).expand(logits.shape); logits.gather(1, index)
    idx = indices.reshape(-1, 1, 1, 1)
    idx = jnp.broadcast_to(idx, logits.shape)
    results = jnp.take_along_axis(logits, idx, axis=1)
    return results

if __name__ == "__main__":
    import jax
    _d = setup_inputs()
    print(jax.jit(kernel)(*tuple(_d.values())))

</pallas_src>

<mosaic_0001>
#map = affine_map<(d0, d1) -> (0, 0, 0)>
#map1 = affine_map<(d0, d1) -> (0)>
module attributes {stable_mosaic.version = 14 : i64} {
  func.func @_sc_gather_bcast(%arg0: i32, %arg1: i32, %arg2: memref<1024x224x224xf32, #tpu.memory_space<hbm>>, %arg3: memref<32xi32, #tpu.memory_space<hbm>>, %arg4: memref<1024x224x224xf32, #tpu.memory_space<hbm>>, %arg5: memref<48xi32, #tpu.memory_space<vmem>>, %arg6: memref<1x224x224xf32, #tpu.memory_space<vmem>>, %arg7: memref<!tpu.dma_semaphore, #tpu.memory_space<semaphore_mem>>, %arg8: memref<!tpu.dma_semaphore, #tpu.memory_space<semaphore_mem>>) attributes {dimension_semantics = [#tpu.dimension_semantics<core_parallel>, #tpu.dimension_semantics<subcore_parallel>], iteration_bounds = array<i64: 2, 16>, scalar_prefetch = 0 : i64, scratch_operands = 4 : i64, tpu.core_type = #tpu.core_type<sc_vector_subcore>, window_params = [{transform_indices = #map}, {transform_indices = #map1}, {transform_indices = #map}]} {
    %mul3A = arith.constant 2 : i32
    %mul3A_0 = arith.muli %arg1, %mul3A : i32
    %add3A = arith.addi %mul3A_0, %arg0 : i32
    "tpu.region"() ({
      %run_scoped3A = tpu.sem_alloc : memref<!tpu.dma_semaphore, #tpu.memory_space<semaphore_mem>>
      %dma_start3A_528 = arith.constant 0 : i32
      %dma_start3A_529 = tpu.memref_slice %arg5[%dma_start3A_528] : memref<48xi32, #tpu.memory_space<vmem>> -> memref<32xi32, #tpu.memory_space<vmem>>
      %dma_start3A_530 = arith.constant 0 : i32
      %dma_start3A_531 = tpu.memref_slice %arg5[%dma_start3A_530] : memref<48xi32, #tpu.memory_space<vmem>> -> memref<32xi32, #tpu.memory_space<vmem>>
      tpu.enqueue_dma source(%arg3 : memref<32xi32, #tpu.memory_space<hbm>>) target(%dma_start3A_531 : memref<32xi32, #tpu.memory_space<vmem>>) target_semaphore(%run_scoped3A : memref<!tpu.dma_semaphore, #tpu.memory_space<semaphore_mem>>)
      %dma_wait3A_532 = arith.constant 0 : i32
      %dma_wait3A_533 = tpu.memref_slice %arg5[%dma_wait3A_532] : memref<48xi32, #tpu.memory_space<vmem>> -> memref<32xi32, #tpu.memory_space<vmem>>
      %dma_wait3A_534 = arith.constant 0 : i32
      %dma_wait3A_535 = tpu.memref_slice %arg5[%dma_wait3A_534] : memref<48xi32, #tpu.memory_space<vmem>> -> memref<32xi32, #tpu.memory_space<vmem>>
      tpu.wait_dma2 semaphore(%run_scoped3A : memref<!tpu.dma_semaphore, #tpu.memory_space<semaphore_mem>>) src(%arg3 : memref<32xi32, #tpu.memory_space<hbm>>) dst(%dma_wait3A_535 : memref<32xi32, #tpu.memory_space<vmem>>)
      tpu.yield
    }) : () -> ()
    %mul3A_1 = arith.constant 32 : i32
    %mul3A_2 = arith.muli %add3A, %mul3A_1 : i32
    %get3A = arith.index_cast %add3A : i32 to index
    %get3A_3 = tpu.vector_load %arg5[%get3A] {strides = array<i32>} : memref<48xi32, #tpu.memory_space<vmem>>, vector<16xi32>,
    %get3A_4 = vector.shape_cast %get3A_3 : vector<16xi32> to vector<16xi32>
    %slice3A = vector.extract_strided_slice %get3A_4 {offsets = [0], sizes = [1], strides = [1]} : vector<16xi32> to vector<1xi32>
    %squeeze3A = vector.extract %slice3A[0] : i32 from vector<1xi32>
    %add3A_5 = arith.addi %mul3A_2, %squeeze3A : i32
    %dma_start3A = arith.constant 0 : i32
    %dma_start3A_6 = arith.constant 0 : i32
    %dma_start3A_7 = tpu.memref_slice %arg2[%add3A_5, %dma_start3A, %dma_start3A_6] : memref<1024x224x224xf32, #tpu.memory_space<hbm>> -> memref<1x224x224xf32, #tpu.memory_space<hbm>>
    %dma_start3A_8 = arith.constant 0 : i32
    %dma_start3A_9 = arith.constant 0 : i32
    %dma_start3A_10 = tpu.memref_slice %arg2[%add3A_5, %dma_start3A_8, %dma_start3A_9] : memref<1024x224x224xf32, #tpu.memory_space<hbm>> -> memref<1x224x224xf32, #tpu.memory_space<hbm>>
    tpu.enqueue_dma source(%dma_start3A_10 : memref<1x224x224xf32, #tpu.memory_space<hbm>>) target(%arg6 : memref<1x224x224xf32, #tpu.memory_space<vmem>>) target_semaphore(%arg7 : memref<!tpu.dma_semaphore, #tpu.memory_space<semaphore_mem>>)
    %dma_wait3A = arith.constant 0 : i32
    %dma_wait3A_11 = arith.constant 0 : i32
    %dma_wait3A_12 = tpu.memref_slice %arg2[%add3A_5, %dma_wait3A, %dma_wait3A_11] : memref<1024x224x224xf32, #tpu.memory_space<hbm>> -> memref<1x224x224xf32, #tpu.memory_space<hbm>>
    %dma_wait3A_13 = arith.constant 0 : i32
    %dma_wait3A_14 = arith.constant 0 : i32
    %dma_wait3A_15 = tpu.memref_slice %arg2[%add3A_5, %dma_wait3A_13, %dma_wait3A_14] : memref<1024x224x224xf32, #tpu.memory_space<hbm>> -> memref<1x224x224xf32, #tpu.memory_space<hbm>>
    tpu.wait_dma2 semaphore(%arg7 : memref<!tpu.dma_semaphore, #tpu.memory_space<semaphore_mem>>) src(%dma_wait3A_15 : memref<1x224x224xf32, #tpu.memory_space<hbm>>) dst(%arg6 : memref<1x224x224xf32, #tpu.memory_space<vmem>>)
    %mul3A_16 = arith.constant 32 : i32
    %mul3A_17 = arith.muli %add3A, %mul3A_16 : i32
    %add3A_18 = arith.constant 0 : i32
    %add3A_19 = arith.addi %mul3A_17, %add3A_18 : i32
    %dma_start3A_20 = arith.constant 0 : i32
    %dma_start3A_21 = arith.constant 0 : i32
    %dma_start3A_22 = tpu.memref_slice %arg4[%add3A_19, %dma_start3A_20, %dma_start3A_21] : memref<1024x224x224xf32, #tpu.memory_space<hbm>> -> memref<1x224x224xf32, #tpu.memory_space<hbm>>
    %dma_start3A_23 = arith.constant 0 : i32
    %dma_start3A_24 = arith.constant 0 : i32
    %dma_start3A_25 = tpu.memref_slice %arg4[%add3A_19, %dma_start3A_23, %dma_start3A_24] : memref<1024x224x224xf32, #tpu.memory_space<hbm>> -> memref<1x224x224xf32, #tpu.memory_space<hbm>>
    tpu.enqueue_dma source(%arg6 : memref<1x224x224xf32, #tpu.memory_space<vmem>>) target(%dma_start3A_25 : memref<1x224x224xf32, #tpu.memory_space<hbm>>) target_semaphore(%arg8 : memref<!tpu.dma_semaphore, #tpu.memory_space<semaphore_mem>>)
    %mul3A_26 = arith.constant 32 : i32
    %mul3A_27 = arith.muli %add3A, %mul3A_26 : i32
    %add3A_28 = arith.constant 1 : i32
    %add3A_29 = arith.addi %mul3A_27, %add3A_28 : i32
    %dma_start3A_30 = arith.constant 0 : i32
    %dma_start3A_31 = arith.constant 0 : i32
    %dma_start3A_32 = tpu.memref_slice %arg4[%add3A_29, %dma_start3A_30, %dma_start3A_31] : memref<1024x224x224xf32, #tpu.memory_space<hbm>> -> memref<1x224x224xf32, #tpu.memory_space<hbm>>
    %dma_start3A_33 = arith.constant 0 : i32
    %dma_start3A_34 = arith.constant 0 : i32
    %dma_start3A_35 = tpu.memref_slice %arg4[%add3A_29, %dma_start3A_33, %dma_start3A_34] : memref<1024x224x224xf32, #tpu.memory_space<hbm>> -> memref<1x224x224xf32, #tpu.memory_space<hbm>>
    tpu.enqueue_dma source(%arg6 : memref<1x224x224xf32, #tpu.memory_space<vmem>>) target(%dma_start3A_35 : memref<1x224x224xf32, #tpu.memory_space<hbm>>) target_semaphore(%arg8 : memref<!tpu.dma_semaphore, #tpu.memory_space<semaphore_mem>>)
    %mul3A_36 = arith.constant 32 : i32
    %mul3A_37 = arith.muli %add3A, %mul3A_36 : i32
    %add3A_38 = arith.constant 2 : i32
    %add3A_39 = arith.addi %mul3A_37, %add3A_38 : i32
    %dma_start3A_40 = arith.constant 0 : i32
    %dma_start3A_41 = arith.constant 0 : i32
    %dma_start3A_42 = tpu.memref_slice %arg4[%add3A_39, %dma_start3A_40, %dma_start3A_41] : memref<1024x224x224xf32, #tpu.memory_space<hbm>> -> memref<1x224x224xf32, #tpu.memory_space<hbm>>
    %dma_start3A_43 = arith.constant 0 : i32
    %dma_start3A_44 = arith.constant 0 : i32
    %dma_start3A_45 = tpu.memref_slice %arg4[%add3A_39, %dma_start3A_43, %dma_start3A_44] : memref<1024x224x224xf32, #tpu.memory_space<hbm>> -> memref<1x224x224xf32, #tpu.memory_space<hbm>>
    tpu.enqueue_dma source(%arg6 : memref<1x224x224xf32, #tpu.memory_space<vmem>>) target(%dma_start3A_45 : memref<1x224x224xf32, #tpu.memory_space<hbm>>) target_semaphore(%arg8 : memref<!tpu.dma_semaphore, #tpu.memory_space<semaphore_mem>>)
    %mul3A_46 = arith.constant 32 : i32
    %mul3A_47 = arith.muli %add3A, %mul3A_46 : i32
    %add3A_48 = arith.constant 3 : i32
    %add3A_49 = arith.addi %mul3A_47, %add3A_48 : i32
    %dma_start3A_50 = arith.constant 0 : i32
    %dma_start3A_51 = arith.constant 0 : i32
    %dma_start3A_52 = tpu.memref_slice %arg4[%add3A_49, %dma_start3A_50, %dma_start3A_51] : memref<1024x224x224xf32, #tpu.memory_space<hbm>> -> memref<1x224x224xf32, #tpu.memory_space<hbm>>
    %dma_start3A_53 = arith.constant 0 : i32
    %dma_start3A_54 = arith.constant 0 : i32
    %dma_start3A_55 = tpu.memref_slice %arg4[%add3A_49, %dma_start3A_53, %dma_start3A_54] : memref<1024x224x224xf32, #tpu.memory_space<hbm>> -> memref<1x224x224xf32, #tpu.memory_space<hbm>>
    tpu.enqueue_dma source(%arg6 : memref<1x224x224xf32, #tpu.memory_space<vmem>>) target(%dma_start3A_55 : memref<1x224x224xf32, #tpu.memory_space<hbm>>) target_semaphore(%arg8 : memref<!tpu.dma_semaphore, #tpu.memory_space<semaphore_mem>>)
    %mul3A_56 = arith.constant 32 : i32
    %mul3A_57 = arith.muli %add3A, %mul3A_56 : i32
    %add3A_58 = arith.constant 4 : i32
    %add3A_59 = arith.addi %mul3A_57, %add3A_58 : i32
    %dma_start3A_60 = arith.constant 0 : i32
    %dma_start3A_61 = arith.constant 0 : i32
    %dma_start3A_62 = tpu.memref_slice %arg4[%add3A_59, %dma_start3A_60, %dma_start3A_61] : memref<1024x224x224xf32, #tpu.memory_space<hbm>> -> memref<1x224x224xf32, #tpu.memory_space<hbm>>
    %dma_start3A_63 = arith.constant 0 : i32
    %dma_start3A_64 = arith.constant 0 : i32
    %dma_start3A_65 = tpu.memref_slice %arg4[%add3A_59, %dma_start3A_63, %dma_start3A_64] : memref<1024x224x224xf32, #tpu.memory_space<hbm>> -> memref<1x224x224xf32, #tpu.memory_space<hbm>>
    tpu.enqueue_dma source(%arg6 : memref<1x224x224xf32, #tpu.memory_space<vmem>>) target(%dma_start3A_65 : memref<1x224x224xf32, #tpu.memory_space<hbm>>) target_semaphore(%arg8 : memref<!tpu.dma_semaphore, #tpu.memory_space<semaphore_mem>>)
    %mul3A_66 = arith.constant 32 : i32
    %mul3A_67 = arith.muli %add3A, %mul3A_66 : i32
    %add3A_68 = arith.constant 5 : i32
    %add3A_69 = arith.addi %mul3A_67, %add3A_68 : i32
    %dma_start3A_70 = arith.constant 0 : i32
    %dma_start3A_71 = arith.constant 0 : i32
    %dma_start3A_72 = tpu.memref_slice %arg4[%add3A_69, %dma_start3A_70, %dma_start3A_71] : memref<1024x224x224xf32, #tpu.memory_space<hbm>> -> memref<1x224x224xf32, #tpu.memory_space<hbm>>
    %dma_start3A_73 = arith.constant 0 : i32
    %dma_start3A_74 = arith.constant 0 : i32
    %dma_start3A_75 = tpu.memref_slice %arg4[%add3A_69, %dma_start3A_73, %dma_start3A_74] : memref<1024x224x224xf32, #tpu.memory_space<hbm>> -> memref<1x224x224xf32, #tpu.memory_space<hbm>>
    tpu.enqueue_dma source(%arg6 : memref<1x224x224xf32, #tpu.memory_space<vmem>>) target(%dma_start3A_75 : memref<1x224x224xf32, #tpu.memory_space<hbm>>) target_semaphore(%arg8 : memref<!tpu.dma_semaphore, #tpu.memory_space<semaphore_mem>>)
    %mul3A_76 = arith.constant 32 : i32
    %mul3A_77 = arith.muli %add3A, %mul3A_76 : i32
    %add3A_78 = arith.constant 6 : i32
    %add3A_79 = arith.addi %mul3A_77, %add3A_78 : i32
    %dma_start3A_80 = arith.constant 0 : i32
    %dma_start3A_81 = arith.constant 0 : i32
    %dma_start3A_82 = tpu.memref_slice %arg4[%add3A_79, %dma_start3A_80, %dma_start3A_81] : memref<1024x224x224xf32, #tpu.memory_space<hbm>> -> memref<1x224x224xf32, #tpu.memory_space<hbm>>
    %dma_start3A_83 = arith.constant 0 : i32
    %dma_start3A_84 = arith.constant 0 : i32
    %dma_start3A_85 = tpu.memref_slice %arg4[%add3A_79, %dma_start3A_83, %dma_start3A_84] : memref<1024x224x224xf32, #tpu.memory_space<hbm>> -> memref<1x224x224xf32, #tpu.memory_space<hbm>>
    tpu.enqueue_dma source(%arg6 : memref<1x224x224xf32, #tpu.memory_space<vmem>>) target(%dma_start3A_85 : memref<1x224x224xf32, #tpu.memory_space<hbm>>) target_semaphore(%arg8 : memref<!tpu.dma_semaphore, #tpu.memory_space<semaphore_mem>>)
    %mul3A_86 = arith.constant 32 : i32
    %mul3A_87 = arith.muli %add3A, %mul3A_86 : i32
    %add3A_88 = arith.constant 7 : i32
    %add3A_89 = arith.addi %mul3A_87, %add3A_88 : i32
    %dma_start3A_90 = arith.constant 0 : i32
    %dma_start3A_91 = arith.constant 0 : i32
    %dma_start3A_92 = tpu.memref_slice %arg4[%add3A_89, %dma_start3A_90, %dma_start3A_91] : memref<1024x224x224xf32, #tpu.memory_space<hbm>> -> memref<1x224x224xf32, #tpu.memory_space<hbm>>
    %dma_start3A_93 = arith.constant 0 : i32
    %dma_start3A_94 = arith.constant 0 : i32
    %dma_start3A_95 = tpu.memref_slice %arg4[%add3A_89, %dma_start3A_93, %dma_start3A_94] : memref<1024x224x224xf32, #tpu.memory_space<hbm>> -> memref<1x224x224xf32, #tpu.memory_space<hbm>>
    tpu.enqueue_dma source(%arg6 : memref<1x224x224xf32, #tpu.memory_space<vmem>>) target(%dma_start3A_95 : memref<1x224x224xf32, #tpu.memory_space<hbm>>) target_semaphore(%arg8 : memref<!tpu.dma_semaphore, #tpu.memory_space<semaphore_mem>>)
    %mul3A_96 = arith.constant 32 : i32
    %mul3A_97 = arith.muli %add3A, %mul3A_96 : i32
    %add3A_98 = arith.constant 8 : i32
    %add3A_99 = arith.addi %mul3A_97, %add3A_98 : i32
    %dma_start3A_100 = arith.constant 0 : i32
    %dma_start3A_101 = arith.constant 0 : i32
    %dma_start3A_102 = tpu.memref_slice %arg4[%add3A_99, %dma_start3A_100, %dma_start3A_101] : memref<1024x224x224xf32, #tpu.memory_space<hbm>> -> memref<1x224x224xf32, #tpu.memory_space<hbm>>
    %dma_start3A_103 = arith.constant 0 : i32
    %dma_start3A_104 = arith.constant 0 : i32
    %dma_start3A_105 = tpu.memref_slice %arg4[%add3A_99, %dma_start3A_103, %dma_start3A_104] : memref<1024x224x224xf32, #tpu.memory_space<hbm>> -> memref<1x224x224xf32, #tpu.memory_space<hbm>>
    tpu.enqueue_dma source(%arg6 : memref<1x224x224xf32, #tpu.memory_space<vmem>>) target(%dma_start3A_105 : memref<1x224x224xf32, #tpu.memory_space<hbm>>) target_semaphore(%arg8 : memref<!tpu.dma_semaphore, #tpu.memory_space<semaphore_mem>>)
    %mul3A_106 = arith.constant 32 : i32
    %mul3A_107 = arith.muli %add3A, %mul3A_106 : i32
    %add3A_108 = arith.constant 9 : i32
    %add3A_109 = arith.addi %mul3A_107, %add3A_108 : i32
    %dma_start3A_110 = arith.constant 0 : i32
    %dma_start3A_111 = arith.constant 0 : i32
    %dma_start3A_112 = tpu.memref_slice %arg4[%add3A_109, %dma_start3A_110, %dma_start3A_111] : memref<1024x224x224xf32, #tpu.memory_space<hbm>> -> memref<1x224x224xf32, #tpu.memory_space<hbm>>
    %dma_start3A_113 = arith.constant 0 : i32
    %dma_start3A_114 = arith.constant 0 : i32
    %dma_start3A_115 = tpu.memref_slice %arg4[%add3A_109, %dma_start3A_113, %dma_start3A_114] : memref<1024x224x224xf32, #tpu.memory_space<hbm>> -> memref<1x224x224xf32, #tpu.memory_space<hbm>>
    tpu.enqueue_dma source(%arg6 : memref<1x224x224xf32, #tpu.memory_space<vmem>>) target(%dma_start3A_115 : memref<1x224x224xf32, #tpu.memory_space<hbm>>) target_semaphore(%arg8 : memref<!tpu.dma_semaphore, #tpu.memory_space<semaphore_mem>>)
    %mul3A_116 = arith.constant 32 : i32
    %mul3A_117 = arith.muli %add3A, %mul3A_116 : i32
    %add3A_118 = arith.constant 10 : i32
    %add3A_119 = arith.addi %mul3A_117, %add3A_118 : i32
    %dma_start3A_120 = arith.constant 0 : i32
    %dma_start3A_121 = arith.constant 0 : i32
    %dma_start3A_122 = tpu.memref_slice %arg4[%add3A_119, %dma_start3A_120, %dma_start3A_121] : memref<1024x224x224xf32, #tpu.memory_space<hbm>> -> memref<1x224x224xf32, #tpu.memory_space<hbm>>
    %dma_start3A_123 = arith.constant 0 : i32
    %dma_start3A_124 = arith.constant 0 : i32
    %dma_start3A_125 = tpu.memref_slice %arg4[%add3A_119, %dma_start3A_123, %dma_start3A_124] : memref<1024x224x224xf32, #tpu.memory_space<hbm>> -> memref<1x224x224xf32, #tpu.memory_space<hbm>>
    tpu.enqueue_dma source(%arg6 : memref<1x224x224xf32, #tpu.memory_space<vmem>>) target(%dma_start3A_125 : memref<1x224x224xf32, #tpu.memory_space<hbm>>) target_semaphore(%arg8 : memref<!tpu.dma_semaphore, #tpu.memory_space<semaphore_mem>>)
    %mul3A_126 = arith.constant 32 : i32
    %mul3A_127 = arith.muli %add3A, %mul3A_126 : i32
    %add3A_128 = arith.constant 11 : i32
    %add3A_129 = arith.addi %mul3A_127, %add3A_128 : i32
    %dma_start3A_130 = arith.constant 0 : i32
    %dma_start3A_131 = arith.constant 0 : i32
    %dma_start3A_132 = tpu.memref_slice %arg4[%add3A_129, %dma_start3A_130, %dma_start3A_131] : memref<1024x224x224xf32, #tpu.memory_space<hbm>> -> memref<1x224x224xf32, #tpu.memory_space<hbm>>
    %dma_start3A_133 = arith.constant 0 : i32
    %dma_start3A_134 = arith.constant 0 : i32
    %dma_start3A_135 = tpu.memref_slice %arg4[%add3A_129, %dma_start3A_133, %dma_start3A_134] : memref<1024x224x224xf32, #tpu.memory_space<hbm>> -> memref<1x224x224xf32, #tpu.memory_space<hbm>>
    tpu.enqueue_dma source(%arg6 : memref<1x224x224xf32, #tpu.memory_space<vmem>>) target(%dma_start3A_135 : memref<1x224x224xf32, #tpu.memory_space<hbm>>) target_semaphore(%arg8 : memref<!tpu.dma_semaphore, #tpu.memory_space<semaphore_mem>>)
    %mul3A_136 = arith.constant 32 : i32
    %mul3A_137 = arith.muli %add3A, %mul3A_136 : i32
    %add3A_138 = arith.constant 12 : i32
    %add3A_139 = arith.addi %mul3A_137, %add3A_138 : i32
    %dma_start3A_140 = arith.constant 0 : i32
    %dma_start3A_141 = arith.constant 0 : i32
    %dma_start3A_142 = tpu.memref_slice %arg4[%add3A_139, %dma_start3A_140, %dma_start3A_141] : memref<1024x224x224xf32, #tpu.memory_space<hbm>> -> memref<1x224x224xf32, #tpu.memory_space<hbm>>
    %dma_start3A_143 = arith.constant 0 : i32
    %dma_start3A_144 = arith.constant 0 : i32
    %dma_start3A_145 = tpu.memref_slice %arg4[%add3A_139, %dma_start3A_143, %dma_start3A_144] : memref<1024x224x224xf32, #tpu.memory_space<hbm>> -> memref<1x224x224xf32, #tpu.memory_space<hbm>>
    tpu.enqueue_dma source(%arg6 : memref<1x224x224xf32, #tpu.memory_space<vmem>>) target(%dma_start3A_145 : memref<1x224x224xf32, #tpu.memory_space<hbm>>) target_semaphore(%arg8 : memref<!tpu.dma_semaphore, #tpu.memory_space<semaphore_mem>>)
    %mul3A_146 = arith.constant 32 : i32
    %mul3A_147 = arith.muli %add3A, %mul3A_146 : i32
    %add3A_148 = arith.constant 13 : i32
    %add3A_149 = arith.addi %mul3A_147, %add3A_148 : i32
    %dma_start3A_150 = arith.constant 0 : i32
    %dma_start3A_151 = arith.constant 0 : i32
    %dma_start3A_152 = tpu.memref_slice %arg4[%add3A_149, %dma_start3A_150, %dma_start3A_151] : memref<1024x224x224xf32, #tpu.memory_space<hbm>> -> memref<1x224x224xf32, #tpu.memory_space<hbm>>
    %dma_start3A_153 = arith.constant 0 : i32
    %dma_start3A_154 = arith.constant 0 : i32
    %dma_start3A_155 = tpu.memref_slice %arg4[%add3A_149, %dma_start3A_153, %dma_start3A_154] : memref<1024x224x224xf32, #tpu.memory_space<hbm>> -> memref<1x224x224xf32, #tpu.memory_space<hbm>>
    tpu.enqueue_dma source(%arg6 : memref<1x224x224xf32, #tpu.memory_space<vmem>>) target(%dma_start3A_155 : memref<1x224x224xf32, #tpu.memory_space<hbm>>) target_semaphore(%arg8 : memref<!tpu.dma_semaphore, #tpu.memory_space<semaphore_mem>>)
    %mul3A_156 = arith.constant 32 : i32
    %mul3A_157 = arith.muli %add3A, %mul3A_156 : i32
    %add3A_158 = arith.constant 14 : i32
    %add3A_159 = arith.addi %mul3A_157, %add3A_158 : i32
    %dma_start3A_160 = arith.constant 0 : i32
    %dma_start3A_161 = arith.constant 0 : i32
    %dma_start3A_162 = tpu.memref_slice %arg4[%add3A_159, %dma_start3A_160, %dma_start3A_161] : memref<1024x224x224xf32, #tpu.memory_space<hbm>> -> memref<1x224x224xf32, #tpu.memory_space<hbm>>
    %dma_start3A_163 = arith.constant 0 : i32
    %dma_start3A_164 = arith.constant 0 : i32
    %dma_start3A_165 = tpu.memref_slice %arg4[%add3A_159, %dma_start3A_163, %dma_start3A_164] : memref<1024x224x224xf32, #tpu.memory_space<hbm>> -> memref<1x224x224xf32, #tpu.memory_space<hbm>>
    tpu.enqueue_dma source(%arg6 : memref<1x224x224xf32, #tpu.memory_space<vmem>>) target(%dma_start3A_165 : memref<1x224x224xf32, #tpu.memory_space<hbm>>) target_semaphore(%arg8 : memref<!tpu.dma_semaphore, #tpu.memory_space<semaphore_mem>>)
    %mul3A_166 = arith.constant 32 : i32
    %mul3A_167 = arith.muli %add3A, %mul3A_166 : i32
    %add3A_168 = arith.constant 15 : i32
    %add3A_169 = arith.addi %mul3A_167, %add3A_168 : i32
    %dma_start3A_170 = arith.constant 0 : i32
    %dma_start3A_171 = arith.constant 0 : i32
    %dma_start3A_172 = tpu.memref_slice %arg4[%add3A_169, %dma_start3A_170, %dma_start3A_171] : memref<1024x224x224xf32, #tpu.memory_space<hbm>> -> memref<1x224x224xf32, #tpu.memory_space<hbm>>
    %dma_start3A_173 = arith.constant 0 : i32
    %dma_start3A_174 = arith.constant 0 : i32
    %dma_start3A_175 = tpu.memref_slice %arg4[%add3A_169, %dma_start3A_173, %dma_start3A_174] : memref<1024x224x224xf32, #tpu.memory_space<hbm>> -> memref<1x224x224xf32, #tpu.memory_space<hbm>>
    tpu.enqueue_dma source(%arg6 : memref<1x224x224xf32, #tpu.memory_space<vmem>>) target(%dma_start3A_175 : memref<1x224x224xf32, #tpu.memory_space<hbm>>) target_semaphore(%arg8 : memref<!tpu.dma_semaphore, #tpu.memory_space<semaphore_mem>>)
    %mul3A_176 = arith.constant 32 : i32
    %mul3A_177 = arith.muli %add3A, %mul3A_176 : i32
    %add3A_178 = arith.constant 16 : i32
    %add3A_179 = arith.addi %mul3A_177, %add3A_178 : i32
    %dma_start3A_180 = arith.constant 0 : i32
    %dma_start3A_181 = arith.constant 0 : i32
    %dma_start3A_182 = tpu.memref_slice %arg4[%add3A_179, %dma_start3A_180, %dma_start3A_181] : memref<1024x224x224xf32, #tpu.memory_space<hbm>> -> memref<1x224x224xf32, #tpu.memory_space<hbm>>
    %dma_start3A_183 = arith.constant 0 : i32
    %dma_start3A_184 = arith.constant 0 : i32
    %dma_start3A_185 = tpu.memref_slice %arg4[%add3A_179, %dma_start3A_183, %dma_start3A_184] : memref<1024x224x224xf32, #tpu.memory_space<hbm>> -> memref<1x224x224xf32, #tpu.memory_space<hbm>>
    tpu.enqueue_dma source(%arg6 : memref<1x224x224xf32, #tpu.memory_space<vmem>>) target(%dma_start3A_185 : memref<1x224x224xf32, #tpu.memory_space<hbm>>) target_semaphore(%arg8 : memref<!tpu.dma_semaphore, #tpu.memory_space<semaphore_mem>>)
    %mul3A_186 = arith.constant 32 : i32
    %mul3A_187 = arith.muli %add3A, %mul3A_186 : i32
    %add3A_188 = arith.constant 17 : i32
    %add3A_189 = arith.addi %mul3A_187, %add3A_188 : i32
    %dma_start3A_190 = arith.constant 0 : i32
    %dma_start3A_191 = arith.constant 0 : i32
    %dma_start3A_192 = tpu.memref_slice %arg4[%add3A_189, %dma_start3A_190, %dma_start3A_191] : memref<1024x224x224xf32, #tpu.memory_space<hbm>> -> memref<1x224x224xf32, #tpu.memory_space<hbm>>
    %dma_start3A_193 = arith.constant 0 : i32
    %dma_start3A_194 = arith.constant 0 : i32
    %dma_start3A_195 = tpu.memref_slice %arg4[%add3A_189, %dma_start3A_193, %dma_start3A_194] : memref<1024x224x224xf32, #tpu.memory_space<hbm>> -> memref<1x224x224xf32, #tpu.memory_space<hbm>>
    tpu.enqueue_dma source(%arg6 : memref<1x224x224xf32, #tpu.memory_space<vmem>>) target(%dma_start3A_195 : memref<1x224x224xf32, #tpu.memory_space<hbm>>) target_semaphore(%arg8 : memref<!tpu.dma_semaphore, #tpu.memory_space<semaphore_mem>>)
    %mul3A_196 = arith.constant 32 : i32
    %mul3A_197 = arith.muli %add3A, %mul3A_196 : i32
    %add3A_198 = arith.constant 18 : i32
    %add3A_199 = arith.addi %mul3A_197, %add3A_198 : i32
    %dma_start3A_200 = arith.constant 0 : i32
    %dma_start3A_201 = arith.constant 0 : i32
    %dma_start3A_202 = tpu.memref_slice %arg4[%add3A_199, %dma_start3A_200, %dma_start3A_201] : memref<1024x224x224xf32, #tpu.memory_space<hbm>> -> memref<1x224x224xf32, #tpu.memory_space<hbm>>
    %dma_start3A_203 = arith.constant 0 : i32
    %dma_start3A_204 = arith.constant 0 : i32
    %dma_start3A_205 = tpu.memref_slice %arg4[%add3A_199, %dma_start3A_203, %dma_start3A_204] : memref<1024x224x224xf32, #tpu.memory_space<hbm>> -> memref<1x224x224xf32, #tpu.memory_space<hbm>>
    tpu.enqueue_dma source(%arg6 : memref<1x224x224xf32, #tpu.memory_space<vmem>>) target(%dma_start3A_205 : memref<1x224x224xf32, #tpu.memory_space<hbm>>) target_semaphore(%arg8 : memref<!tpu.dma_semaphore, #tpu.memory_space<semaphore_mem>>)
    %mul3A_206 = arith.constant 32 : i32
    %mul3A_207 = arith.muli %add3A, %mul3A_206 : i32
    %add3A_208 = arith.constant 19 : i32
    %add3A_209 = arith.addi %mul3A_207, %add3A_208 : i32
    %dma_start3A_210 = arith.constant 0 : i32
    %dma_start3A_211 = arith.constant 0 : i32
    %dma_start3A_212 = tpu.memref_slice %arg4[%add3A_209, %dma_start3A_210, %dma_start3A_211] : memref<1024x224x224xf32, #tpu.memory_space<hbm>> -> memref<1x224x224xf32, #tpu.memory_space<hbm>>
    %dma_start3A_213 = arith.constant 0 : i32
    %dma_start3A_214 = arith.constant 0 : i32
    %dma_start3A_215 = tpu.memref_slice %arg4[%add3A_209, %dma_start3A_213, %dma_start3A_214] : memref<1024x224x224xf32, #tpu.memory_space<hbm>> -> memref<1x224x224xf32, #tpu.memory_space<hbm>>
    tpu.enqueue_dma source(%arg6 : memref<1x224x224xf32, #tpu.memory_space<vmem>>) target(%dma_start3A_215 : memref<1x224x224xf32, #tpu.memory_space<hbm>>) target_semaphore(%arg8 : memref<!tpu.dma_semaphore, #tpu.memory_space<semaphore_mem>>)
    %mul3A_216 = arith.constant 32 : i32
    %mul3A_217 = arith.muli %add3A, %mul3A_216 : i32
    %add3A_218 = arith.constant 20 : i32
    %add3A_219 = arith.addi %mul3A_217, %add3A_218 : i32
    %dma_start3A_220 = arith.constant 0 : i32
    %dma_start3A_221 = arith.constant 0 : i32
    %dma_start3A_222 = tpu.memref_slice %arg4[%add3A_219, %dma_start3A_220, %dma_start3A_221] : memref<1024x224x224xf32, #tpu.memory_space<hbm>> -> memref<1x224x224xf32, #tpu.memory_space<hbm>>
    %dma_start3A_223 = arith.constant 0 : i32
    %dma_start3A_224 = arith.constant 0 : i32
    %dma_start3A_225 = tpu.memref_slice %arg4[%add3A_219, %dma_start3A_223, %dma_start3A_224] : memref<1024x224x224xf32, #tpu.memory_space<hbm>> -> memref<1x224x224xf32, #tpu.memory_space<hbm>>
    tpu.enqueue_dma source(%arg6 : memref<1x224x224xf32, #tpu.memory_space<vmem>>) target(%dma_start3A_225 : memref<1x224x224xf32, #tpu.memory_space<hbm>>) target_semaphore(%arg8 : memref<!tpu.dma_semaphore, #tpu.memory_space<semaphore_mem>>)
    %mul3A_226 = arith.constant 32 : i32
    %mul3A_227 = arith.muli %add3A, %mul3A_226 : i32
    %add3A_228 = arith.constant 21 : i32
    %add3A_229 = arith.addi %mul3A_227, %add3A_228 : i32
    %dma_start3A_230 = arith.constant 0 : i32
    %dma_start3A_231 = arith.constant 0 : i32
    %dma_start3A_232 = tpu.memref_slice %arg4[%add3A_229, %dma_start3A_230, %dma_start3A_231] : memref<1024x224x224xf32, #tpu.memory_space<hbm>> -> memref<1x224x224xf32, #tpu.memory_space<hbm>>
    %dma_start3A_233 = arith.constant 0 : i32
    %dma_start3A_234 = arith.constant 0 : i32
    %dma_start3A_235 = tpu.memref_slice %arg4[%add3A_229, %dma_start3A_233, %dma_start3A_234] : memref<1024x224x224xf32, #tpu.memory_space<hbm>> -> memref<1x224x224xf32, #tpu.memory_space<hbm>>
    tpu.enqueue_dma source(%arg6 : memref<1x224x224xf32, #tpu.memory_space<vmem>>) target(%dma_start3A_235 : memref<1x224x224xf32, #tpu.memory_space<hbm>>) target_semaphore(%arg8 : memref<!tpu.dma_semaphore, #tpu.memory_space<semaphore_mem>>)
    %mul3A_236 = arith.constant 32 : i32
    %mul3A_237 = arith.muli %add3A, %mul3A_236 : i32
    %add3A_238 = arith.constant 22 : i32
    %add3A_239 = arith.addi %mul3A_237, %add3A_238 : i32
    %dma_start3A_240 = arith.constant 0 : i32
    %dma_start3A_241 = arith.constant 0 : i32
    %dma_start3A_242 = tpu.memref_slice %arg4[%add3A_239, %dma_start3A_240, %dma_start3A_241] : memref<1024x224x224xf32, #tpu.memory_space<hbm>> -> memref<1x224x224xf32, #tpu.memory_space<hbm>>
    %dma_start3A_243 = arith.constant 0 : i32
    %dma_start3A_244 = arith.constant 0 : i32
    %dma_start3A_245 = tpu.memref_slice %arg4[%add3A_239, %dma_start3A_243, %dma_start3A_244] : memref<1024x224x224xf32, #tpu.memory_space<hbm>> -> memref<1x224x224xf32, #tpu.memory_space<hbm>>
    tpu.enqueue_dma source(%arg6 : memref<1x224x224xf32, #tpu.memory_space<vmem>>) target(%dma_start3A_245 : memref<1x224x224xf32, #tpu.memory_space<hbm>>) target_semaphore(%arg8 : memref<!tpu.dma_semaphore, #tpu.memory_space<semaphore_mem>>)
    %mul3A_246 = arith.constant 32 : i32
    %mul3A_247 = arith.muli %add3A, %mul3A_246 : i32
    %add3A_248 = arith.constant 23 : i32
    %add3A_249 = arith.addi %mul3A_247, %add3A_248 : i32
    %dma_start3A_250 = arith.constant 0 : i32
    %dma_start3A_251 = arith.constant 0 : i32
    %dma_start3A_252 = tpu.memref_slice %arg4[%add3A_249, %dma_start3A_250, %dma_start3A_251] : memref<1024x224x224xf32, #tpu.memory_space<hbm>> -> memref<1x224x224xf32, #tpu.memory_space<hbm>>
    %dma_start3A_253 = arith.constant 0 : i32
    %dma_start3A_254 = arith.constant 0 : i32
    %dma_start3A_255 = tpu.memref_slice %arg4[%add3A_249, %dma_start3A_253, %dma_start3A_254] : memref<1024x224x224xf32, #tpu.memory_space<hbm>> -> memref<1x224x224xf32, #tpu.memory_space<hbm>>
    tpu.enqueue_dma source(%arg6 : memref<1x224x224xf32, #tpu.memory_space<vmem>>) target(%dma_start3A_255 : memref<1x224x224xf32, #tpu.memory_space<hbm>>) target_semaphore(%arg8 : memref<!tpu.dma_semaphore, #tpu.memory_space<semaphore_mem>>)
    %mul3A_256 = arith.constant 32 : i32
    %mul3A_257 = arith.muli %add3A, %mul3A_256 : i32
    %add3A_258 = arith.constant 24 : i32
    %add3A_259 = arith.addi %mul3A_257, %add3A_258 : i32
    %dma_start3A_260 = arith.constant 0 : i32
    %dma_start3A_261 = arith.constant 0 : i32
    %dma_start3A_262 = tpu.memref_slice %arg4[%add3A_259, %dma_start3A_260, %dma_start3A_261] : memref<1024x224x224xf32, #tpu.memory_space<hbm>> -> memref<1x224x224xf32, #tpu.memory_space<hbm>>
    %dma_start3A_263 = arith.constant 0 : i32
    %dma_start3A_264 = arith.constant 0 : i32
    %dma_start3A_265 = tpu.memref_slice %arg4[%add3A_259, %dma_start3A_263, %dma_start3A_264] : memref<1024x224x224xf32, #tpu.memory_space<hbm>> -> memref<1x224x224xf32, #tpu.memory_space<hbm>>
    tpu.enqueue_dma source(%arg6 : memref<1x224x224xf32, #tpu.memory_space<vmem>>) target(%dma_start3A_265 : memref<1x224x224xf32, #tpu.memory_space<hbm>>) target_semaphore(%arg8 : memref<!tpu.dma_semaphore, #tpu.memory_space<semaphore_mem>>)
    %mul3A_266 = arith.constant 32 : i32
    %mul3A_267 = arith.muli %add3A, %mul3A_266 : i32
    %add3A_268 = arith.constant 25 : i32
    %add3A_269 = arith.addi %mul3A_267, %add3A_268 : i32
    %dma_start3A_270 = arith.constant 0 : i32
    %dma_start3A_271 = arith.constant 0 : i32
    %dma_start3A_272 = tpu.memref_slice %arg4[%add3A_269, %dma_start3A_270, %dma_start3A_271] : memref<1024x224x224xf32, #tpu.memory_space<hbm>> -> memref<1x224x224xf32, #tpu.memory_space<hbm>>
    %dma_start3A_273 = arith.constant 0 : i32
    %dma_start3A_274 = arith.constant 0 : i32
    %dma_start3A_275 = tpu.memref_slice %arg4[%add3A_269, %dma_start3A_273, %dma_start3A_274] : memref<1024x224x224xf32, #tpu.memory_space<hbm>> -> memref<1x224x224xf32, #tpu.memory_space<hbm>>
    tpu.enqueue_dma source(%arg6 : memref<1x224x224xf32, #tpu.memory_space<vmem>>) target(%dma_start3A_275 : memref<1x224x224xf32, #tpu.memory_space<hbm>>) target_semaphore(%arg8 : memref<!tpu.dma_semaphore, #tpu.memory_space<semaphore_mem>>)
    %mul3A_276 = arith.constant 32 : i32
    %mul3A_277 = arith.muli %add3A, %mul3A_276 : i32
    %add3A_278 = arith.constant 26 : i32
    %add3A_279 = arith.addi %mul3A_277, %add3A_278 : i32
    %dma_start3A_280 = arith.constant 0 : i32
    %dma_start3A_281 = arith.constant 0 : i32
    %dma_start3A_282 = tpu.memref_slice %arg4[%add3A_279, %dma_start3A_280, %dma_start3A_281] : memref<1024x224x224xf32, #tpu.memory_space<hbm>> -> memref<1x224x224xf32, #tpu.memory_space<hbm>>
    %dma_start3A_283 = arith.constant 0 : i32
    %dma_start3A_284 = arith.constant 0 : i32
    %dma_start3A_285 = tpu.memref_slice %arg4[%add3A_279, %dma_start3A_283, %dma_start3A_284] : memref<1024x224x224xf32, #tpu.memory_space<hbm>> -> memref<1x224x224xf32, #tpu.memory_space<hbm>>
    tpu.enqueue_dma source(%arg6 : memref<1x224x224xf32, #tpu.memory_space<vmem>>) target(%dma_start3A_285 : memref<1x224x224xf32, #tpu.memory_space<hbm>>) target_semaphore(%arg8 : memref<!tpu.dma_semaphore, #tpu.memory_space<semaphore_mem>>)
    %mul3A_286 = arith.constant 32 : i32
    %mul3A_287 = arith.muli %add3A, %mul3A_286 : i32
    %add3A_288 = arith.constant 27 : i32
    %add3A_289 = arith.addi %mul3A_287, %add3A_288 : i32
    %dma_start3A_290 = arith.constant 0 : i32
    %dma_start3A_291 = arith.constant 0 : i32
    %dma_start3A_292 = tpu.memref_slice %arg4[%add3A_289, %dma_start3A_290, %dma_start3A_291] : memref<1024x224x224xf32, #tpu.memory_space<hbm>> -> memref<1x224x224xf32, #tpu.memory_space<hbm>>
    %dma_start3A_293 = arith.constant 0 : i32
    %dma_start3A_294 = arith.constant 0 : i32
    %dma_start3A_295 = tpu.memref_slice %arg4[%add3A_289, %dma_start3A_293, %dma_start3A_294] : memref<1024x224x224xf32, #tpu.memory_space<hbm>> -> memref<1x224x224xf32, #tpu.memory_space<hbm>>
    tpu.enqueue_dma source(%arg6 : memref<1x224x224xf32, #tpu.memory_space<vmem>>) target(%dma_start3A_295 : memref<1x224x224xf32, #tpu.memory_space<hbm>>) target_semaphore(%arg8 : memref<!tpu.dma_semaphore, #tpu.memory_space<semaphore_mem>>)
    %mul3A_296 = arith.constant 32 : i32
    %mul3A_297 = arith.muli %add3A, %mul3A_296 : i32
    %add3A_298 = arith.constant 28 : i32
    %add3A_299 = arith.addi %mul3A_297, %add3A_298 : i32
    %dma_start3A_300 = arith.constant 0 : i32
    %dma_start3A_301 = arith.constant 0 : i32
    %dma_start3A_302 = tpu.memref_slice %arg4[%add3A_299, %dma_start3A_300, %dma_start3A_301] : memref<1024x224x224xf32, #tpu.memory_space<hbm>> -> memref<1x224x224xf32, #tpu.memory_space<hbm>>
    %dma_start3A_303 = arith.constant 0 : i32
    %dma_start3A_304 = arith.constant 0 : i32
    %dma_start3A_305 = tpu.memref_slice %arg2[%add3A_5, %dma_start3A_303, %dma_start3A_304] : memref<1024x224x224xf32, #tpu.memory_space<hbm>> -> memref<1x224x224xf32, #tpu.memory_space<hbm>>
    tpu.enqueue_dma source(%dma_start3A_305 : memref<1x224x224xf32, #tpu.memory_space<hbm>>) target(%dma_start3A_302 : memref<1x224x224xf32, #tpu.memory_space<hbm>>) target_semaphore(%arg8 : memref<!tpu.dma_semaphore, #tpu.memory_space<semaphore_mem>>)
    %mul3A_306 = arith.constant 32 : i32
    %mul3A_307 = arith.muli %add3A, %mul3A_306 : i32
    %add3A_308 = arith.constant 29 : i32
    %add3A_309 = arith.addi %mul3A_307, %add3A_308 : i32
    %dma_start3A_310 = arith.constant 0 : i32
    %dma_start3A_311 = arith.constant 0 : i32
    %dma_start3A_312 = tpu.memref_slice %arg4[%add3A_309, %dma_start3A_310, %dma_start3A_311] : memref<1024x224x224xf32, #tpu.memory_space<hbm>> -> memref<1x224x224xf32, #tpu.memory_space<hbm>>
    %dma_start3A_313 = arith.constant 0 : i32
    %dma_start3A_314 = arith.constant 0 : i32
    %dma_start3A_315 = tpu.memref_slice %arg2[%add3A_5, %dma_start3A_313, %dma_start3A_314] : memref<1024x224x224xf32, #tpu.memory_space<hbm>> -> memref<1x224x224xf32, #tpu.memory_space<hbm>>
    tpu.enqueue_dma source(%dma_start3A_315 : memref<1x224x224xf32, #tpu.memory_space<hbm>>) target(%dma_start3A_312 : memref<1x224x224xf32, #tpu.memory_space<hbm>>) target_semaphore(%arg8 : memref<!tpu.dma_semaphore, #tpu.memory_space<semaphore_mem>>)
    %mul3A_316 = arith.constant 32 : i32
    %mul3A_317 = arith.muli %add3A, %mul3A_316 : i32
    %add3A_318 = arith.constant 30 : i32
    %add3A_319 = arith.addi %mul3A_317, %add3A_318 : i32
    %dma_start3A_320 = arith.constant 0 : i32
    %dma_start3A_321 = arith.constant 0 : i32
    %dma_start3A_322 = tpu.memref_slice %arg4[%add3A_319, %dma_start3A_320, %dma_start3A_321] : memref<1024x224x224xf32, #tpu.memory_space<hbm>> -> memref<1x224x224xf32, #tpu.memory_space<hbm>>
    %dma_start3A_323 = arith.constant 0 : i32
    %dma_start3A_324 = arith.constant 0 : i32
    %dma_start3A_325 = tpu.memref_slice %arg2[%add3A_5, %dma_start3A_323, %dma_start3A_324] : memref<1024x224x224xf32, #tpu.memory_space<hbm>> -> memref<1x224x224xf32, #tpu.memory_space<hbm>>
    tpu.enqueue_dma source(%dma_start3A_325 : memref<1x224x224xf32, #tpu.memory_space<hbm>>) target(%dma_start3A_322 : memref<1x224x224xf32, #tpu.memory_space<hbm>>) target_semaphore(%arg8 : memref<!tpu.dma_semaphore, #tpu.memory_space<semaphore_mem>>)
    %mul3A_326 = arith.constant 32 : i32
    %mul3A_327 = arith.muli %add3A, %mul3A_326 : i32
    %add3A_328 = arith.constant 31 : i32
    %add3A_329 = arith.addi %mul3A_327, %add3A_328 : i32
    %dma_start3A_330 = arith.constant 0 : i32
    %dma_start3A_331 = arith.constant 0 : i32
    %dma_start3A_332 = tpu.memref_slice %arg4[%add3A_329, %dma_start3A_330, %dma_start3A_331] : memref<1024x224x224xf32, #tpu.memory_space<hbm>> -> memref<1x224x224xf32, #tpu.memory_space<hbm>>
    %dma_start3A_333 = arith.constant 0 : i32
    %dma_start3A_334 = arith.constant 0 : i32
    %dma_start3A_335 = tpu.memref_slice %arg2[%add3A_5, %dma_start3A_333, %dma_start3A_334] : memref<1024x224x224xf32, #tpu.memory_space<hbm>> -> memref<1x224x224xf32, #tpu.memory_space<hbm>>
    tpu.enqueue_dma source(%dma_start3A_335 : memref<1x224x224xf32, #tpu.memory_space<hbm>>) target(%dma_start3A_332 : memref<1x224x224xf32, #tpu.memory_space<hbm>>) target_semaphore(%arg8 : memref<!tpu.dma_semaphore, #tpu.memory_space<semaphore_mem>>)
    %dma_wait3A_336 = arith.constant 0 : i32
    %dma_wait3A_337 = arith.constant 0 : i32
    %dma_wait3A_338 = tpu.memref_slice %arg4[%add3A_19, %dma_wait3A_336, %dma_wait3A_337] : memref<1024x224x224xf32, #tpu.memory_space<hbm>> -> memref<1x224x224xf32, #tpu.memory_space<hbm>>
    %dma_wait3A_339 = arith.constant 0 : i32
    %dma_wait3A_340 = arith.constant 0 : i32
    %dma_wait3A_341 = tpu.memref_slice %arg4[%add3A_19, %dma_wait3A_339, %dma_wait3A_340] : memref<1024x224x224xf32, #tpu.memory_space<hbm>> -> memref<1x224x224xf32, #tpu.memory_space<hbm>>
    tpu.wait_dma2 semaphore(%arg8 : memref<!tpu.dma_semaphore, #tpu.memory_space<semaphore_mem>>) src(%arg6 : memref<1x224x224xf32, #tpu.memory_space<vmem>>) dst(%dma_wait3A_341 : memref<1x224x224xf32, #tpu.memory_space<hbm>>)
    %dma_wait3A_342 = arith.constant 0 : i32
    %dma_wait3A_343 = arith.constant 0 : i32
    %dma_wait3A_344 = tpu.memref_slice %arg4[%add3A_29, %dma_wait3A_342, %dma_wait3A_343] : memref<1024x224x224xf32, #tpu.memory_space<hbm>> -> memref<1x224x224xf32, #tpu.memory_space<hbm>>
    %dma_wait3A_345 = arith.constant 0 : i32
    %dma_wait3A_346 = arith.constant 0 : i32
    %dma_wait3A_347 = tpu.memref_slice %arg4[%add3A_29, %dma_wait3A_345, %dma_wait3A_346] : memref<1024x224x224xf32, #tpu.memory_space<hbm>> -> memref<1x224x224xf32, #tpu.memory_space<hbm>>
    tpu.wait_dma2 semaphore(%arg8 : memref<!tpu.dma_semaphore, #tpu.memory_space<semaphore_mem>>) src(%arg6 : memref<1x224x224xf32, #tpu.memory_space<vmem>>) dst(%dma_wait3A_347 : memref<1x224x224xf32, #tpu.memory_space<hbm>>)
    %dma_wait3A_348 = arith.constant 0 : i32
    %dma_wait3A_349 = arith.constant 0 : i32
    %dma_wait3A_350 = tpu.memref_slice %arg4[%add3A_39, %dma_wait3A_348, %dma_wait3A_349] : memref<1024x224x224xf32, #tpu.memory_space<hbm>> -> memref<1x224x224xf32, #tpu.memory_space<hbm>>
    %dma_wait3A_351 = arith.constant 0 : i32
    %dma_wait3A_352 = arith.constant 0 : i32
    %dma_wait3A_353 = tpu.memref_slice %arg4[%add3A_39, %dma_wait3A_351, %dma_wait3A_352] : memref<1024x224x224xf32, #tpu.memory_space<hbm>> -> memref<1x224x224xf32, #tpu.memory_space<hbm>>
    tpu.wait_dma2 semaphore(%arg8 : memref<!tpu.dma_semaphore, #tpu.memory_space<semaphore_mem>>) src(%arg6 : memref<1x224x224xf32, #tpu.memory_space<vmem>>) dst(%dma_wait3A_353 : memref<1x224x224xf32, #tpu.memory_space<hbm>>)
    %dma_wait3A_354 = arith.constant 0 : i32
    %dma_wait3A_355 = arith.constant 0 : i32
    %dma_wait3A_356 = tpu.memref_slice %arg4[%add3A_49, %dma_wait3A_354, %dma_wait3A_355] : memref<1024x224x224xf32, #tpu.memory_space<hbm>> -> memref<1x224x224xf32, #tpu.memory_space<hbm>>
    %dma_wait3A_357 = arith.constant 0 : i32
    %dma_wait3A_358 = arith.constant 0 : i32
    %dma_wait3A_359 = tpu.memref_slice %arg4[%add3A_49, %dma_wait3A_357, %dma_wait3A_358] : memref<1024x224x224xf32, #tpu.memory_space<hbm>> -> memref<1x224x224xf32, #tpu.memory_space<hbm>>
    tpu.wait_dma2 semaphore(%arg8 : memref<!tpu.dma_semaphore, #tpu.memory_space<semaphore_mem>>) src(%arg6 : memref<1x224x224xf32, #tpu.memory_space<vmem>>) dst(%dma_wait3A_359 : memref<1x224x224xf32, #tpu.memory_space<hbm>>)
    %dma_wait3A_360 = arith.constant 0 : i32
    %dma_wait3A_361 = arith.constant 0 : i32
    %dma_wait3A_362 = tpu.memref_slice %arg4[%add3A_59, %dma_wait3A_360, %dma_wait3A_361] : memref<1024x224x224xf32, #tpu.memory_space<hbm>> -> memref<1x224x224xf32, #tpu.memory_space<hbm>>
    %dma_wait3A_363 = arith.constant 0 : i32
    %dma_wait3A_364 = arith.constant 0 : i32
    %dma_wait3A_365 = tpu.memref_slice %arg4[%add3A_59, %dma_wait3A_363, %dma_wait3A_364] : memref<1024x224x224xf32, #tpu.memory_space<hbm>> -> memref<1x224x224xf32, #tpu.memory_space<hbm>>
    tpu.wait_dma2 semaphore(%arg8 : memref<!tpu.dma_semaphore, #tpu.memory_space<semaphore_mem>>) src(%arg6 : memref<1x224x224xf32, #tpu.memory_space<vmem>>) dst(%dma_wait3A_365 : memref<1x224x224xf32, #tpu.memory_space<hbm>>)
    %dma_wait3A_366 = arith.constant 0 : i32
    %dma_wait3A_367 = arith.constant 0 : i32
    %dma_wait3A_368 = tpu.memref_slice %arg4[%add3A_69, %dma_wait3A_366, %dma_wait3A_367] : memref<1024x224x224xf32, #tpu.memory_space<hbm>> -> memref<1x224x224xf32, #tpu.memory_space<hbm>>
    %dma_wait3A_369 = arith.constant 0 : i32
    %dma_wait3A_370 = arith.constant 0 : i32
    %dma_wait3A_371 = tpu.memref_slice %arg4[%add3A_69, %dma_wait3A_369, %dma_wait3A_370] : memref<1024x224x224xf32, #tpu.memory_space<hbm>> -> memref<1x224x224xf32, #tpu.memory_space<hbm>>
    tpu.wait_dma2 semaphore(%arg8 : memref<!tpu.dma_semaphore, #tpu.memory_space<semaphore_mem>>) src(%arg6 : memref<1x224x224xf32, #tpu.memory_space<vmem>>) dst(%dma_wait3A_371 : memref<1x224x224xf32, #tpu.memory_space<hbm>>)
    %dma_wait3A_372 = arith.constant 0 : i32
    %dma_wait3A_373 = arith.constant 0 : i32
    %dma_wait3A_374 = tpu.memref_slice %arg4[%add3A_79, %dma_wait3A_372, %dma_wait3A_373] : memref<1024x224x224xf32, #tpu.memory_space<hbm>> -> memref<1x224x224xf32, #tpu.memory_space<hbm>>
    %dma_wait3A_375 = arith.constant 0 : i32
    %dma_wait3A_376 = arith.constant 0 : i32
    %dma_wait3A_377 = tpu.memref_slice %arg4[%add3A_79, %dma_wait3A_375, %dma_wait3A_376] : memref<1024x224x224xf32, #tpu.memory_space<hbm>> -> memref<1x224x224xf32, #tpu.memory_space<hbm>>
    tpu.wait_dma2 semaphore(%arg8 : memref<!tpu.dma_semaphore, #tpu.memory_space<semaphore_mem>>) src(%arg6 : memref<1x224x224xf32, #tpu.memory_space<vmem>>) dst(%dma_wait3A_377 : memref<1x224x224xf32, #tpu.memory_space<hbm>>)
    %dma_wait3A_378 = arith.constant 0 : i32
    %dma_wait3A_379 = arith.constant 0 : i32
    %dma_wait3A_380 = tpu.memref_slice %arg4[%add3A_89, %dma_wait3A_378, %dma_wait3A_379] : memref<1024x224x224xf32, #tpu.memory_space<hbm>> -> memref<1x224x224xf32, #tpu.memory_space<hbm>>
    %dma_wait3A_381 = arith.constant 0 : i32
    %dma_wait3A_382 = arith.constant 0 : i32
    %dma_wait3A_383 = tpu.memref_slice %arg4[%add3A_89, %dma_wait3A_381, %dma_wait3A_382] : memref<1024x224x224xf32, #tpu.memory_space<hbm>> -> memref<1x224x224xf32, #tpu.memory_space<hbm>>
    tpu.wait_dma2 semaphore(%arg8 : memref<!tpu.dma_semaphore, #tpu.memory_space<semaphore_mem>>) src(%arg6 : memref<1x224x224xf32, #tpu.memory_space<vmem>>) dst(%dma_wait3A_383 : memref<1x224x224xf32, #tpu.memory_space<hbm>>)
    %dma_wait3A_384 = arith.constant 0 : i32
    %dma_wait3A_385 = arith.constant 0 : i32
    %dma_wait3A_386 = tpu.memref_slice %arg4[%add3A_99, %dma_wait3A_384, %dma_wait3A_385] : memref<1024x224x224xf32, #tpu.memory_space<hbm>> -> memref<1x224x224xf32, #tpu.memory_space<hbm>>
    %dma_wait3A_387 = arith.constant 0 : i32
    %dma_wait3A_388 = arith.constant 0 : i32
    %dma_wait3A_389 = tpu.memref_slice %arg4[%add3A_99, %dma_wait3A_387, %dma_wait3A_388] : memref<1024x224x224xf32, #tpu.memory_space<hbm>> -> memref<1x224x224xf32, #tpu.memory_space<hbm>>
    tpu.wait_dma2 semaphore(%arg8 : memref<!tpu.dma_semaphore, #tpu.memory_space<semaphore_mem>>) src(%arg6 : memref<1x224x224xf32, #tpu.memory_space<vmem>>) dst(%dma_wait3A_389 : memref<1x224x224xf32, #tpu.memory_space<hbm>>)
    %dma_wait3A_390 = arith.constant 0 : i32
    %dma_wait3A_391 = arith.constant 0 : i32
    %dma_wait3A_392 = tpu.memref_slice %arg4[%add3A_109, %dma_wait3A_390, %dma_wait3A_391] : memref<1024x224x224xf32, #tpu.memory_space<hbm>> -> memref<1x224x224xf32, #tpu.memory_space<hbm>>
    %dma_wait3A_393 = arith.constant 0 : i32
    %dma_wait3A_394 = arith.constant 0 : i32
    %dma_wait3A_395 = tpu.memref_slice %arg4[%add3A_109, %dma_wait3A_393, %dma_wait3A_394] : memref<1024x224x224xf32, #tpu.memory_space<hbm>> -> memref<1x224x224xf32, #tpu.memory_space<hbm>>
    tpu.wait_dma2 semaphore(%arg8 : memref<!tpu.dma_semaphore, #tpu.memory_space<semaphore_mem>>) src(%arg6 : memref<1x224x224xf32, #tpu.memory_space<vmem>>) dst(%dma_wait3A_395 : memref<1x224x224xf32, #tpu.memory_space<hbm>>)
    %dma_wait3A_396 = arith.constant 0 : i32
    %dma_wait3A_397 = arith.constant 0 : i32
    %dma_wait3A_398 = tpu.memref_slice %arg4[%add3A_119, %dma_wait3A_396, %dma_wait3A_397] : memref<1024x224x224xf32, #tpu.memory_space<hbm>> -> memref<1x224x224xf32, #tpu.memory_space<hbm>>
    %dma_wait3A_399 = arith.constant 0 : i32
    %dma_wait3A_400 = arith.constant 0 : i32
    %dma_wait3A_401 = tpu.memref_slice %arg4[%add3A_119, %dma_wait3A_399, %dma_wait3A_400] : memref<1024x224x224xf32, #tpu.memory_space<hbm>> -> memref<1x224x224xf32, #tpu.memory_space<hbm>>
    tpu.wait_dma2 semaphore(%arg8 : memref<!tpu.dma_semaphore, #tpu.memory_space<semaphore_mem>>) src(%arg6 : memref<1x224x224xf32, #tpu.memory_space<vmem>>) dst(%dma_wait3A_401 : memref<1x224x224xf32, #tpu.memory_space<hbm>>)
    %dma_wait3A_402 = arith.constant 0 : i32
    %dma_wait3A_403 = arith.constant 0 : i32
    %dma_wait3A_404 = tpu.memref_slice %arg4[%add3A_129, %dma_wait3A_402, %dma_wait3A_403] : memref<1024x224x224xf32, #tpu.memory_space<hbm>> -> memref<1x224x224xf32, #tpu.memory_space<hbm>>
    %dma_wait3A_405 = arith.constant 0 : i32
    %dma_wait3A_406 = arith.constant 0 : i32
    %dma_wait3A_407 = tpu.memref_slice %arg4[%add3A_129, %dma_wait3A_405, %dma_wait3A_406] : memref<1024x224x224xf32, #tpu.memory_space<hbm>> -> memref<1x224x224xf32, #tpu.memory_space<hbm>>
    tpu.wait_dma2 semaphore(%arg8 : memref<!tpu.dma_semaphore, #tpu.memory_space<semaphore_mem>>) src(%arg6 : memref<1x224x224xf32, #tpu.memory_space<vmem>>) dst(%dma_wait3A_407 : memref<1x224x224xf32, #tpu.memory_space<hbm>>)
    %dma_wait3A_408 = arith.constant 0 : i32
    %dma_wait3A_409 = arith.constant 0 : i32
    %dma_wait3A_410 = tpu.memref_slice %arg4[%add3A_139, %dma_wait3A_408, %dma_wait3A_409] : memref<1024x224x224xf32, #tpu.memory_space<hbm>> -> memref<1x224x224xf32, #tpu.memory_space<hbm>>
    %dma_wait3A_411 = arith.constant 0 : i32
    %dma_wait3A_412 = arith.constant 0 : i32
    %dma_wait3A_413 = tpu.memref_slice %arg4[%add3A_139, %dma_wait3A_411, %dma_wait3A_412] : memref<1024x224x224xf32, #tpu.memory_space<hbm>> -> memref<1x224x224xf32, #tpu.memory_space<hbm>>
    tpu.wait_dma2 semaphore(%arg8 : memref<!tpu.dma_semaphore, #tpu.memory_space<semaphore_mem>>) src(%arg6 : memref<1x224x224xf32, #tpu.memory_space<vmem>>) dst(%dma_wait3A_413 : memref<1x224x224xf32, #tpu.memory_space<hbm>>)
    %dma_wait3A_414 = arith.constant 0 : i32
    %dma_wait3A_415 = arith.constant 0 : i32
    %dma_wait3A_416 = tpu.memref_slice %arg4[%add3A_149, %dma_wait3A_414, %dma_wait3A_415] : memref<1024x224x224xf32, #tpu.memory_space<hbm>> -> memref<1x224x224xf32, #tpu.memory_space<hbm>>
    %dma_wait3A_417 = arith.constant 0 : i32
    %dma_wait3A_418 = arith.constant 0 : i32
    %dma_wait3A_419 = tpu.memref_slice %arg4[%add3A_149, %dma_wait3A_417, %dma_wait3A_418] : memref<1024x224x224xf32, #tpu.memory_space<hbm>> -> memref<1x224x224xf32, #tpu.memory_space<hbm>>
    tpu.wait_dma2 semaphore(%arg8 : memref<!tpu.dma_semaphore, #tpu.memory_space<semaphore_mem>>) src(%arg6 : memref<1x224x224xf32, #tpu.memory_space<vmem>>) dst(%dma_wait3A_419 : memref<1x224x224xf32, #tpu.memory_space<hbm>>)
    %dma_wait3A_420 = arith.constant 0 : i32
    %dma_wait3A_421 = arith.constant 0 : i32
    %dma_wait3A_422 = tpu.memref_slice %arg4[%add3A_159, %dma_wait3A_420, %dma_wait3A_421] : memref<1024x224x224xf32, #tpu.memory_space<hbm>> -> memref<1x224x224xf32, #tpu.memory_space<hbm>>
    %dma_wait3A_423 = arith.constant 0 : i32
    %dma_wait3A_424 = arith.constant 0 : i32
    %dma_wait3A_425 = tpu.memref_slice %arg4[%add3A_159, %dma_wait3A_423, %dma_wait3A_424] : memref<1024x224x224xf32, #tpu.memory_space<hbm>> -> memref<1x224x224xf32, #tpu.memory_space<hbm>>
    tpu.wait_dma2 semaphore(%arg8 : memref<!tpu.dma_semaphore, #tpu.memory_space<semaphore_mem>>) src(%arg6 : memref<1x224x224xf32, #tpu.memory_space<vmem>>) dst(%dma_wait3A_425 : memref<1x224x224xf32, #tpu.memory_space<hbm>>)
    %dma_wait3A_426 = arith.constant 0 : i32
    %dma_wait3A_427 = arith.constant 0 : i32
    %dma_wait3A_428 = tpu.memref_slice %arg4[%add3A_169, %dma_wait3A_426, %dma_wait3A_427] : memref<1024x224x224xf32, #tpu.memory_space<hbm>> -> memref<1x224x224xf32, #tpu.memory_space<hbm>>
    %dma_wait3A_429 = arith.constant 0 : i32
    %dma_wait3A_430 = arith.constant 0 : i32
    %dma_wait3A_431 = tpu.memref_slice %arg4[%add3A_169, %dma_wait3A_429, %dma_wait3A_430] : memref<1024x224x224xf32, #tpu.memory_space<hbm>> -> memref<1x224x224xf32, #tpu.memory_space<hbm>>
    tpu.wait_dma2 semaphore(%arg8 : memref<!tpu.dma_semaphore, #tpu.memory_space<semaphore_mem>>) src(%arg6 : memref<1x224x224xf32, #tpu.memory_space<vmem>>) dst(%dma_wait3A_431 : memref<1x224x224xf32, #tpu.memory_space<hbm>>)
    %dma_wait3A_432 = arith.constant 0 : i32
    %dma_wait3A_433 = arith.constant 0 : i32
    %dma_wait3A_434 = tpu.memref_slice %arg4[%add3A_179, %dma_wait3A_432, %dma_wait3A_433] : memref<1024x224x224xf32, #tpu.memory_space<hbm>> -> memref<1x224x224xf32, #tpu.memory_space<hbm>>
    %dma_wait3A_435 = arith.constant 0 : i32
    %dma_wait3A_436 = arith.constant 0 : i32
    %dma_wait3A_437 = tpu.memref_slice %arg4[%add3A_179, %dma_wait3A_435, %dma_wait3A_436] : memref<1024x224x224xf32, #tpu.memory_space<hbm>> -> memref<1x224x224xf32, #tpu.memory_space<hbm>>
    tpu.wait_dma2 semaphore(%arg8 : memref<!tpu.dma_semaphore, #tpu.memory_space<semaphore_mem>>) src(%arg6 : memref<1x224x224xf32, #tpu.memory_space<vmem>>) dst(%dma_wait3A_437 : memref<1x224x224xf32, #tpu.memory_space<hbm>>)
    %dma_wait3A_438 = arith.constant 0 : i32
    %dma_wait3A_439 = arith.constant 0 : i32
    %dma_wait3A_440 = tpu.memref_slice %arg4[%add3A_189, %dma_wait3A_438, %dma_wait3A_439] : memref<1024x224x224xf32, #tpu.memory_space<hbm>> -> memref<1x224x224xf32, #tpu.memory_space<hbm>>
    %dma_wait3A_441 = arith.constant 0 : i32
    %dma_wait3A_442 = arith.constant 0 : i32
    %dma_wait3A_443 = tpu.memref_slice %arg4[%add3A_189, %dma_wait3A_441, %dma_wait3A_442] : memref<1024x224x224xf32, #tpu.memory_space<hbm>> -> memref<1x224x224xf32, #tpu.memory_space<hbm>>
    tpu.wait_dma2 semaphore(%arg8 : memref<!tpu.dma_semaphore, #tpu.memory_space<semaphore_mem>>) src(%arg6 : memref<1x224x224xf32, #tpu.memory_space<vmem>>) dst(%dma_wait3A_443 : memref<1x224x224xf32, #tpu.memory_space<hbm>>)
    %dma_wait3A_444 = arith.constant 0 : i32
    %dma_wait3A_445 = arith.constant 0 : i32
    %dma_wait3A_446 = tpu.memref_slice %arg4[%add3A_199, %dma_wait3A_444, %dma_wait3A_445] : memref<1024x224x224xf32, #tpu.memory_space<hbm>> -> memref<1x224x224xf32, #tpu.memory_space<hbm>>
    %dma_wait3A_447 = arith.constant 0 : i32
    %dma_wait3A_448 = arith.constant 0 : i32
    %dma_wait3A_449 = tpu.memref_slice %arg4[%add3A_199, %dma_wait3A_447, %dma_wait3A_448] : memref<1024x224x224xf32, #tpu.memory_space<hbm>> -> memref<1x224x224xf32, #tpu.memory_space<hbm>>
    tpu.wait_dma2 semaphore(%arg8 : memref<!tpu.dma_semaphore, #tpu.memory_space<semaphore_mem>>) src(%arg6 : memref<1x224x224xf32, #tpu.memory_space<vmem>>) dst(%dma_wait3A_449 : memref<1x224x224xf32, #tpu.memory_space<hbm>>)
    %dma_wait3A_450 = arith.constant 0 : i32
    %dma_wait3A_451 = arith.constant 0 : i32
    %dma_wait3A_452 = tpu.memref_slice %arg4[%add3A_209, %dma_wait3A_450, %dma_wait3A_451] : memref<1024x224x224xf32, #tpu.memory_space<hbm>> -> memref<1x224x224xf32, #tpu.memory_space<hbm>>
    %dma_wait3A_453 = arith.constant 0 : i32
    %dma_wait3A_454 = arith.constant 0 : i32
    %dma_wait3A_455 = tpu.memref_slice %arg4[%add3A_209, %dma_wait3A_453, %dma_wait3A_454] : memref<1024x224x224xf32, #tpu.memory_space<hbm>> -> memref<1x224x224xf32, #tpu.memory_space<hbm>>
    tpu.wait_dma2 semaphore(%arg8 : memref<!tpu.dma_semaphore, #tpu.memory_space<semaphore_mem>>) src(%arg6 : memref<1x224x224xf32, #tpu.memory_space<vmem>>) dst(%dma_wait3A_455 : memref<1x224x224xf32, #tpu.memory_space<hbm>>)
    %dma_wait3A_456 = arith.constant 0 : i32
    %dma_wait3A_457 = arith.constant 0 : i32
    %dma_wait3A_458 = tpu.memref_slice %arg4[%add3A_219, %dma_wait3A_456, %dma_wait3A_457] : memref<1024x224x224xf32, #tpu.memory_space<hbm>> -> memref<1x224x224xf32, #tpu.memory_space<hbm>>
    %dma_wait3A_459 = arith.constant 0 : i32
    %dma_wait3A_460 = arith.constant 0 : i32
    %dma_wait3A_461 = tpu.memref_slice %arg4[%add3A_219, %dma_wait3A_459, %dma_wait3A_460] : memref<1024x224x224xf32, #tpu.memory_space<hbm>> -> memref<1x224x224xf32, #tpu.memory_space<hbm>>
    tpu.wait_dma2 semaphore(%arg8 : memref<!tpu.dma_semaphore, #tpu.memory_space<semaphore_mem>>) src(%arg6 : memref<1x224x224xf32, #tpu.memory_space<vmem>>) dst(%dma_wait3A_461 : memref<1x224x224xf32, #tpu.memory_space<hbm>>)
    %dma_wait3A_462 = arith.constant 0 : i32
    %dma_wait3A_463 = arith.constant 0 : i32
    %dma_wait3A_464 = tpu.memref_slice %arg4[%add3A_229, %dma_wait3A_462, %dma_wait3A_463] : memref<1024x224x224xf32, #tpu.memory_space<hbm>> -> memref<1x224x224xf32, #tpu.memory_space<hbm>>
    %dma_wait3A_465 = arith.constant 0 : i32
    %dma_wait3A_466 = arith.constant 0 : i32
    %dma_wait3A_467 = tpu.memref_slice %arg4[%add3A_229, %dma_wait3A_465, %dma_wait3A_466] : memref<1024x224x224xf32, #tpu.memory_space<hbm>> -> memref<1x224x224xf32, #tpu.memory_space<hbm>>
    tpu.wait_dma2 semaphore(%arg8 : memref<!tpu.dma_semaphore, #tpu.memory_space<semaphore_mem>>) src(%arg6 : memref<1x224x224xf32, #tpu.memory_space<vmem>>) dst(%dma_wait3A_467 : memref<1x224x224xf32, #tpu.memory_space<hbm>>)
    %dma_wait3A_468 = arith.constant 0 : i32
    %dma_wait3A_469 = arith.constant 0 : i32
    %dma_wait3A_470 = tpu.memref_slice %arg4[%add3A_239, %dma_wait3A_468, %dma_wait3A_469] : memref<1024x224x224xf32, #tpu.memory_space<hbm>> -> memref<1x224x224xf32, #tpu.memory_space<hbm>>
    %dma_wait3A_471 = arith.constant 0 : i32
    %dma_wait3A_472 = arith.constant 0 : i32
    %dma_wait3A_473 = tpu.memref_slice %arg4[%add3A_239, %dma_wait3A_471, %dma_wait3A_472] : memref<1024x224x224xf32, #tpu.memory_space<hbm>> -> memref<1x224x224xf32, #tpu.memory_space<hbm>>
    tpu.wait_dma2 semaphore(%arg8 : memref<!tpu.dma_semaphore, #tpu.memory_space<semaphore_mem>>) src(%arg6 : memref<1x224x224xf32, #tpu.memory_space<vmem>>) dst(%dma_wait3A_473 : memref<1x224x224xf32, #tpu.memory_space<hbm>>)
    %dma_wait3A_474 = arith.constant 0 : i32
    %dma_wait3A_475 = arith.constant 0 : i32
    %dma_wait3A_476 = tpu.memref_slice %arg4[%add3A_249, %dma_wait3A_474, %dma_wait3A_475] : memref<1024x224x224xf32, #tpu.memory_space<hbm>> -> memref<1x224x224xf32, #tpu.memory_space<hbm>>
    %dma_wait3A_477 = arith.constant 0 : i32
    %dma_wait3A_478 = arith.constant 0 : i32
    %dma_wait3A_479 = tpu.memref_slice %arg4[%add3A_249, %dma_wait3A_477, %dma_wait3A_478] : memref<1024x224x224xf32, #tpu.memory_space<hbm>> -> memref<1x224x224xf32, #tpu.memory_space<hbm>>
    tpu.wait_dma2 semaphore(%arg8 : memref<!tpu.dma_semaphore, #tpu.memory_space<semaphore_mem>>) src(%arg6 : memref<1x224x224xf32, #tpu.memory_space<vmem>>) dst(%dma_wait3A_479 : memref<1x224x224xf32, #tpu.memory_space<hbm>>)
    %dma_wait3A_480 = arith.constant 0 : i32
    %dma_wait3A_481 = arith.constant 0 : i32
    %dma_wait3A_482 = tpu.memref_slice %arg4[%add3A_259, %dma_wait3A_480, %dma_wait3A_481] : memref<1024x224x224xf32, #tpu.memory_space<hbm>> -> memref<1x224x224xf32, #tpu.memory_space<hbm>>
    %dma_wait3A_483 = arith.constant 0 : i32
    %dma_wait3A_484 = arith.constant 0 : i32
    %dma_wait3A_485 = tpu.memref_slice %arg4[%add3A_259, %dma_wait3A_483, %dma_wait3A_484] : memref<1024x224x224xf32, #tpu.memory_space<hbm>> -> memref<1x224x224xf32, #tpu.memory_space<hbm>>
    tpu.wait_dma2 semaphore(%arg8 : memref<!tpu.dma_semaphore, #tpu.memory_space<semaphore_mem>>) src(%arg6 : memref<1x224x224xf32, #tpu.memory_space<vmem>>) dst(%dma_wait3A_485 : memref<1x224x224xf32, #tpu.memory_space<hbm>>)
    %dma_wait3A_486 = arith.constant 0 : i32
    %dma_wait3A_487 = arith.constant 0 : i32
    %dma_wait3A_488 = tpu.memref_slice %arg4[%add3A_269, %dma_wait3A_486, %dma_wait3A_487] : memref<1024x224x224xf32, #tpu.memory_space<hbm>> -> memref<1x224x224xf32, #tpu.memory_space<hbm>>
    %dma_wait3A_489 = arith.constant 0 : i32
    %dma_wait3A_490 = arith.constant 0 : i32
    %dma_wait3A_491 = tpu.memref_slice %arg4[%add3A_269, %dma_wait3A_489, %dma_wait3A_490] : memref<1024x224x224xf32, #tpu.memory_space<hbm>> -> memref<1x224x224xf32, #tpu.memory_space<hbm>>
    tpu.wait_dma2 semaphore(%arg8 : memref<!tpu.dma_semaphore, #tpu.memory_space<semaphore_mem>>) src(%arg6 : memref<1x224x224xf32, #tpu.memory_space<vmem>>) dst(%dma_wait3A_491 : memref<1x224x224xf32, #tpu.memory_space<hbm>>)
    %dma_wait3A_492 = arith.constant 0 : i32
    %dma_wait3A_493 = arith.constant 0 : i32
    %dma_wait3A_494 = tpu.memref_slice %arg4[%add3A_279, %dma_wait3A_492, %dma_wait3A_493] : memref<1024x224x224xf32, #tpu.memory_space<hbm>> -> memref<1x224x224xf32, #tpu.memory_space<hbm>>
    %dma_wait3A_495 = arith.constant 0 : i32
    %dma_wait3A_496 = arith.constant 0 : i32
    %dma_wait3A_497 = tpu.memref_slice %arg4[%add3A_279, %dma_wait3A_495, %dma_wait3A_496] : memref<1024x224x224xf32, #tpu.memory_space<hbm>> -> memref<1x224x224xf32, #tpu.memory_space<hbm>>
    tpu.wait_dma2 semaphore(%arg8 : memref<!tpu.dma_semaphore, #tpu.memory_space<semaphore_mem>>) src(%arg6 : memref<1x224x224xf32, #tpu.memory_space<vmem>>) dst(%dma_wait3A_497 : memref<1x224x224xf32, #tpu.memory_space<hbm>>)
    %dma_wait3A_498 = arith.constant 0 : i32
    %dma_wait3A_499 = arith.constant 0 : i32
    %dma_wait3A_500 = tpu.memref_slice %arg4[%add3A_289, %dma_wait3A_498, %dma_wait3A_499] : memref<1024x224x224xf32, #tpu.memory_space<hbm>> -> memref<1x224x224xf32, #tpu.memory_space<hbm>>
    %dma_wait3A_501 = arith.constant 0 : i32
    %dma_wait3A_502 = arith.constant 0 : i32
    %dma_wait3A_503 = tpu.memref_slice %arg4[%add3A_289, %dma_wait3A_501, %dma_wait3A_502] : memref<1024x224x224xf32, #tpu.memory_space<hbm>> -> memref<1x224x224xf32, #tpu.memory_space<hbm>>
    tpu.wait_dma2 semaphore(%arg8 : memref<!tpu.dma_semaphore, #tpu.memory_space<semaphore_mem>>) src(%arg6 : memref<1x224x224xf32, #tpu.memory_space<vmem>>) dst(%dma_wait3A_503 : memref<1x224x224xf32, #tpu.memory_space<hbm>>)
    %dma_wait3A_504 = arith.constant 0 : i32
    %dma_wait3A_505 = arith.constant 0 : i32
    %dma_wait3A_506 = tpu.memref_slice %arg4[%add3A_299, %dma_wait3A_504, %dma_wait3A_505] : memref<1024x224x224xf32, #tpu.memory_space<hbm>> -> memref<1x224x224xf32, #tpu.memory_space<hbm>>
    %dma_wait3A_507 = arith.constant 0 : i32
    %dma_wait3A_508 = arith.constant 0 : i32
    %dma_wait3A_509 = tpu.memref_slice %arg2[%add3A_5, %dma_wait3A_507, %dma_wait3A_508] : memref<1024x224x224xf32, #tpu.memory_space<hbm>> -> memref<1x224x224xf32, #tpu.memory_space<hbm>>
    tpu.wait_dma2 semaphore(%arg8 : memref<!tpu.dma_semaphore, #tpu.memory_space<semaphore_mem>>) src(%dma_wait3A_509 : memref<1x224x224xf32, #tpu.memory_space<hbm>>) dst(%dma_wait3A_506 : memref<1x224x224xf32, #tpu.memory_space<hbm>>)
    %dma_wait3A_510 = arith.constant 0 : i32
    %dma_wait3A_511 = arith.constant 0 : i32
    %dma_wait3A_512 = tpu.memref_slice %arg4[%add3A_309, %dma_wait3A_510, %dma_wait3A_511] : memref<1024x224x224xf32, #tpu.memory_space<hbm>> -> memref<1x224x224xf32, #tpu.memory_space<hbm>>
    %dma_wait3A_513 = arith.constant 0 : i32
    %dma_wait3A_514 = arith.constant 0 : i32
    %dma_wait3A_515 = tpu.memref_slice %arg2[%add3A_5, %dma_wait3A_513, %dma_wait3A_514] : memref<1024x224x224xf32, #tpu.memory_space<hbm>> -> memref<1x224x224xf32, #tpu.memory_space<hbm>>
    tpu.wait_dma2 semaphore(%arg8 : memref<!tpu.dma_semaphore, #tpu.memory_space<semaphore_mem>>) src(%dma_wait3A_515 : memref<1x224x224xf32, #tpu.memory_space<hbm>>) dst(%dma_wait3A_512 : memref<1x224x224xf32, #tpu.memory_space<hbm>>)
    %dma_wait3A_516 = arith.constant 0 : i32
    %dma_wait3A_517 = arith.constant 0 : i32
    %dma_wait3A_518 = tpu.memref_slice %arg4[%add3A_319, %dma_wait3A_516, %dma_wait3A_517] : memref<1024x224x224xf32, #tpu.memory_space<hbm>> -> memref<1x224x224xf32, #tpu.memory_space<hbm>>
    %dma_wait3A_519 = arith.constant 0 : i32
    %dma_wait3A_520 = arith.constant 0 : i32
    %dma_wait3A_521 = tpu.memref_slice %arg2[%add3A_5, %dma_wait3A_519, %dma_wait3A_520] : memref<1024x224x224xf32, #tpu.memory_space<hbm>> -> memref<1x224x224xf32, #tpu.memory_space<hbm>>
    tpu.wait_dma2 semaphore(%arg8 : memref<!tpu.dma_semaphore, #tpu.memory_space<semaphore_mem>>) src(%dma_wait3A_521 : memref<1x224x224xf32, #tpu.memory_space<hbm>>) dst(%dma_wait3A_518 : memref<1x224x224xf32, #tpu.memory_space<hbm>>)
    %dma_wait3A_522 = arith.constant 0 : i32
    %dma_wait3A_523 = arith.constant 0 : i32
    %dma_wait3A_524 = tpu.memref_slice %arg4[%add3A_329, %dma_wait3A_522, %dma_wait3A_523] : memref<1024x224x224xf32, #tpu.memory_space<hbm>> -> memref<1x224x224xf32, #tpu.memory_space<hbm>>
    %dma_wait3A_525 = arith.constant 0 : i32
    %dma_wait3A_526 = arith.constant 0 : i32
    %dma_wait3A_527 = tpu.memref_slice %arg2[%add3A_5, %dma_wait3A_525, %dma_wait3A_526] : memref<1024x224x224xf32, #tpu.memory_space<hbm>> -> memref<1x224x224xf32, #tpu.memory_space<hbm>>
    tpu.wait_dma2 semaphore(%arg8 : memref<!tpu.dma_semaphore, #tpu.memory_space<semaphore_mem>>) src(%dma_wait3A_527 : memref<1x224x224xf32, #tpu.memory_space<hbm>>) dst(%dma_wait3A_524 : memref<1x224x224xf32, #tpu.memory_space<hbm>>)
    return
  }
}

</mosaic_0001>

<sc_bundles>
// kernel: kernel.3.cloned.1.call-start
scs
__scs_entry_jumppad:
0x0: {  	(pc) =	sbr.rel $0x88, $3  }
0x1: {  	(tag) =	ssettag $0x0;
	lr =	simm.s32 $0x1  }
0x2: {  	[smem:$0x3F9F] =	sst lr;
	_ =	strace $0xD0000000  }
0x3: {  	_ = 	snop  }
0x4: {  	_ = 	snop  }
0x5: {  	_ = 	snop  }
0x6: {  	_ = 	snop  }
0x7: {  	_ = 	snop  }
__scs_overlays_trampoline_lowered:
0x8: {  	[smem:$0x3FAE] =	sst s0  }
0x9: {  	[smem:$0x3FAF] =	sst s1  }
0xa: {  	[smem:$0x3FB0] =	sst s2  }
0xb: {  	[smem:$0x3FB1] =	sst s3  }
0xc: {  	[smem:$0x3FB2] =	sst s4  }
0xd: {  	[smem:$0x3FB3] =	sst s5  }
0xe: {  	[smem:$0x3FB4] =	sst s6  }
0xf: {  	[smem:$0x3FB5] =	sst s7  }
0x10: {  	[smem:$0x3FB6] =	sst s8  }
0x11: {  	[smem:$0x3FB7] =	sst s9;
	s0 =	simm.s32 @!p0 $0x0  }
0x12: {  	s1 =	sld [smem:$0x3F9D];
	s0 =	simm.s32 @p0 $0x1  }
0x13: {  	[smem:$0x3FB8] =	sst s0;
	s0 =	simm.s32 @!p1 $0x0  }
0x14: {  	s2 =	sld [smem:$0x3F9C];
	s0 =	simm.s32 @p1 $0x1  }
0x15: {  	[smem:$0x3FB9] =	sst s0;
	s0 =	simm.s32 @!p2 $0x0  }
0x16: {  	s3 =	sld [smem:$0x3FDB];
	s0 =	simm.s32 @p2 $0x1  }
0x17: {  	s4 =	simm.s32 $0x1BF5;
	[smem:$0x3FBB] =	sst s0  }
0x18: {  	s0 =	sld [smem:$0x3F9E];
	_ =	swait.ge [sflag:s4], $0x0  }
0x19: {  	s7 =	sld [smem:$0x3F9F]  }
0x1a: {  	s8 =	sadd.s32 $0xFFFFE003, lr  }
0x1b: {  	s9 =	sadd.s32 $0xFFFFFEF7, lr;
	s5 =	simm.s32 $0xFFFFFFFF;
	p2 =	slt.u32 s8, $0xFFFFF086  }
0x1c: {  	p1 =	slt.u32 s9, $0xF7A;
	s5 =	simm.s32 @!p2 $0x0  }
0x1d: {  	s5 =	simm.s32 @p1 $0x1;
	p0 =	seq.s32 s7, s2  }
0x1e: {  	s7 =	smul.u32 @!p0 $0xF7A, s2;
	p2 =	seq.s32 @!p0 s5, $0x0  }
0x1f: {  	s9 =	smul.u32 $0xF7A, s1;
	s8 =	simm.s32 @!p0 $0x1BF5;
	p2 =	por !p2, p0  }
0x20: {  	[sflag:s8] =	ssyncset.s32 @!p0 $0xFFFFF086;
	s6 =	sadd.s32 @!p0 s3, s7;
	s7 =	simm.s32 @!p0 $0x108  }
0x21: {  	s3 =	sadd.s32 s3, s9;
	s6 =	sadd.s32 @!p0 $0x88, s6;
	s7 =	simm.s32 @p2 $0x1082  }
0x22: {  	[simem:s7], [sflag:s8] =	dma.local @!p0 [hbm:s6], $0xF7A  }
0x23: {  	s9 =	sor.u32 $0xD0000000, s2;
	s6 =	simm.s32 $0x108;
	_ =	swait.ge @!p0 [sflag:s8], $0x0  }
0x24: {  	s3 =	sadd.s32 $0x88, s3;
	s6 =	simm.s32 @!p1 $0x1082;
	[sflag:s4] =	ssyncset.s32 $0xFFFFF086  }
0x25: {  	[simem:s6], [sflag:s4] =	dma.local [hbm:s3], $0xF7A  }
0x26: {  	[smem:$0x3F9F] =	sst s1;
	(tag) =	ssettag s2;
	_ =	strace s9  }
0x27: {  	s1 =	sld [smem:$0x3FAF]  }
0x28: {  	s2 =	sld [smem:$0x3FB0]  }
0x29: {  	s4 =	sld [smem:$0x3FB2]  }
0x2a: {  	p0 =	seq.s32 s5, $0x0;
	s5 =	sld [smem:$0x3FB3]  }
0x2b: {  	s6 =	sld [smem:$0x3FB4]  }
0x2c: {  	s7 =	sld [smem:$0x3FB5]  }
0x2d: {  	s3 =	simm.s32 $0x108;
	s8 =	sld [smem:$0x3FB6]  }
0x2e: {  	s3 =	simm.s32 @!p0 $0x1082;
	s9 =	sld [smem:$0x3FB7]  }
0x2f: {  	lr =	sadd.s32 s0, s3;
	s0 =	sld [smem:$0x3FAE]  }
0x30: {  	s3 =	sld [smem:$0x3FB1]  }
0x31: {  	[smem:$0x3FBA] =	sst s10  }
0x32: {  	s10 =	sld [smem:$0x3FB8];
	_ =	sdelay $0x3  }
0x33: {  	p0 =	seq.s32 s10, $0x1;
	s10 =	sld [smem:$0x3FBA];
	_ =	sdelay $0x3  }
0x34: {  	[smem:$0x3FBA] =	sst s10  }
0x35: {  	s10 =	sld [smem:$0x3FB9];
	_ =	sdelay $0x3  }
0x36: {  	p1 =	seq.s32 s10, $0x1;
	s10 =	sld [smem:$0x3FBA];
	_ =	sdelay $0x3  }
0x37: {  	[smem:$0x3FBA] =	sst s10  }
0x38: {  	s10 =	sld [smem:$0x3FBB]  }
0x39: {  	_ = 	snop;
	(pc) =	sbr.ind lr, $3  }
0x3a: {  	_ = 	snop  }
0x3b: {  	_ = 	snop  }
0x3c: {  	p2 =	seq.s32 s10, $0x1;
	s10 =	sld [smem:$0x3FBA]  }
0x3d: {  	_ =	shalt  }
0x3e: {  	_ =	shalt  }
0x3f: {  	_ =	shalt  }
0x40: {  	_ =	shalt  }
0x41: {  	_ =	shalt  }
0x42: {  	_ =	shalt  }
0x43: {  	_ =	shalt  }
0x44: {  	_ =	shalt  }
0x45: {  	_ =	shalt  }
0x46: {  	_ =	shalt  }
0x47: {  	_ =	shalt  }
0x48: {  	_ =	shalt  }
0x49: {  	_ =	shalt  }
0x4a: {  	_ =	shalt  }
0x4b: {  	_ =	shalt  }
0x4c: {  	_ =	shalt  }
0x4d: {  	_ =	shalt  }
0x4e: {  	_ =	shalt  }
0x4f: {  	_ =	shalt  }
0x50: {  	_ =	shalt  }
0x51: {  	_ =	shalt  }
0x52: {  	_ =	shalt  }
0x53: {  	_ =	shalt  }
0x54: {  	_ =	shalt  }
0x55: {  	_ =	shalt  }
0x56: {  	_ =	shalt  }
0x57: {  	_ =	shalt  }
0x58: {  	_ =	shalt  }
0x59: {  	_ =	shalt  }
0x5a: {  	_ =	shalt  }
0x5b: {  	_ =	shalt  }
0x5c: {  	_ =	shalt  }
0x5d: {  	_ =	shalt  }
0x5e: {  	_ =	shalt  }
0x5f: {  	_ =	shalt  }
0x60: {  	_ =	shalt  }
0x61: {  	_ =	shalt  }
0x62: {  	_ =	shalt  }
0x63: {  	_ =	shalt  }
0x64: {  	_ =	shalt  }
0x65: {  	_ =	shalt  }
0x66: {  	_ =	shalt  }
0x67: {  	_ =	shalt  }
0x68: {  	_ =	shalt  }
0x69: {  	_ =	shalt  }
0x6a: {  	_ =	shalt  }
0x6b: {  	_ =	shalt  }
0x6c: {  	_ =	shalt  }
0x6d: {  	_ =	shalt  }
0x6e: {  	_ =	shalt  }
0x6f: {  	_ =	shalt  }
0x70: {  	_ =	shalt  }
0x71: {  	_ =	shalt  }
0x72: {  	_ =	shalt  }
0x73: {  	_ =	shalt  }
0x74: {  	_ =	shalt  }
0x75: {  	_ =	shalt  }
0x76: {  	_ =	shalt  }
0x77: {  	_ =	shalt  }
0x78: {  	_ =	shalt  }
0x79: {  	_ =	shalt  }
0x7a: {  	_ =	shalt  }
0x7b: {  	_ =	shalt  }
0x7c: {  	_ =	shalt  }
0x7d: {  	_ =	shalt  }
0x7e: {  	_ =	shalt  }
0x7f: {  	_ =	shalt  }
0x80: {  	_ =	shalt  }
0x81: {  	_ =	shalt  }
0x82: {  	_ =	shalt  }
0x83: {  	_ =	shalt  }
0x84: {  	_ =	shalt  }
0x85: {  	_ =	shalt  }
0x86: {  	_ =	shalt  }
0x87: {  	_ =	shalt  }
.Lfunc_end0:
.L_simem_size_0:
called_computation_lowered:
.L_overlay_start_0:
0x88: {  	s2 =	sld [smem:$0x3FD9]  }
0x89: {  	s3 =	sld [smem:$0x3FFE];
	_ =	sdelay $0x1  }
0x8a: {  	s1 =	srdreg.scid  }
0x8b: {  	s0 =	sand.u32 $0x1, s1  }
0x8c: {  	s18 =	sshll.u32 s0, $0xA;
	s2 =	sadd.s32 s3, s2  }
0x8d: {  	s2 =	sadd.s32 s2, s18  }
0x8e: {  	[smem:$0x3FC6] =	sst s2  }
0x8f: {  	_ = 	snop  }
0x90: {  	s2 =	sld [smem:$0x3FC9]  }
0x91: {  	s19 =	sld [smem:$0x3FC8]  }
0x92: {  	s4 =	sld [smem:$0x3FD0];
	(tm) =	ssettm $0x1  }
0x93: {  	s5 =	sld [smem:$0x3FFB];
	_ =	sdelay $0x3  }
0x94: {  	_ =	strace s5  }
0x95: {  	s5 =	sld [smem:$0x3FFC];
	_ =	sdelay $0x3  }
0x96: {  	_ =	strace s5  }
0x97: {  	s5 =	sld [smem:$0x3FFD];
	_ =	sdelay $0x3  }
0x98: {  	_ =	strace s5  }
0x99: {  	_ =	strace $0x8FFFFFFF  }
0x9a: {  	s20 =	sld [smem:$0x3FDB];
	_ =	sdelay $0x1  }
0x9b: {  	s6 =	simm.s32 $_scs_section_size  }
0x9c: {  	s7 =	simm.s32 $_size__tile_overlayer_lowered;
	s8 =	simm.s32 $_tile_overlayer_lowered  }
0x9d: {  	s23 =	simm.s32 $0x1BFF;
	s22 =	sshll.u32 s8, $0x1;
	s5 =	sadd.s32 s6, s20  }
0x9e: {  	s9 =	simm.s32 $0x0;
	s21 =	sshll.u32 s7, $0x1;
	s7 =	sadd.s32 s22, s5  }
0x9f: {  	[timem:s9], [sflag:s23] =	dma.local [hbm:s7], s21  }
0xa0: {  	_ =	swait.ge [sflag:s23], s21  }
0xa1: {  	s6 =	ssub.s32 $0x0, s21;
	[sflag:s23] =	ssyncset.done $0x0  }
0xa2: {  	[sflag:s23] =	ssyncadd.s32 s6;
	_ =	sdelay $0x1  }
0xa3: {  	s24 =	simm.s32 $0x1B8B  }
0xa4: {  	_ =	swait.ge [sflag:s24], $0x1  }
0xa5: {  	[sflag:s24] =	ssyncset.done $0x0  }
0xa6: {  	s25 =	simm.s32 $0x1B8E;
	[sflag:s24] =	ssyncadd.s32 $0xFFFFFFFF  }
0xa7: {  	s26 =	simm.s32 $execute0_lowered;
	[smem:$0x3FD2] =	sst s25  }
0xa8: {  	s6 =	sshll.u32 s26, $0x1;
	_ =	strace $0x80000046;
	[dreg:$0x1] =	wrdreg $0xFFFFFFFF  }
0xa9: {  	s28 =	simm.s32 $_size_execute0_lowered;
	s5 =	sadd.s32 s5, s6;
	[dreg:$0x0] =	wrdreg $0x0  }
0xaa: {  	s6 =	sshll.u32 s28, $0x1;
	[dreg:$0x2] =	wrdreg s5  }
0xab: {  	[dreg:$0x3] =	wrdreg s6  }
0xac: {  	[dreg:$0x4] =	wrdreg $0xC0  }
0xad: {  	_ =	task [dreg:s9], $0x5FFFF  }
0xae: {  	[dreg:$0x1] =	wrdreg $0xFFFFFFFF  }
0xaf: {  	[dreg:$0x0] =	wrdreg $0x60  }
0xb0: {  	[dreg:$0x2] =	wrdreg s2  }
0xb1: {  	[dreg:$0x3] =	wrdreg s19  }
0xb2: {  	[dreg:$0x4] =	wrdreg s4  }
0xb3: {  	[dreg:$0x5] =	wrdreg $0x9  }
0xb4: {  	_ =	task.clear_ibuf [dreg:s9], $0x6FFFF;
	_ =	strace $0x90000046  }
0xb5: {  	s29 =	simm.s32 $0x9;
	_ =	strace $0x80000048  }
0xb6: {  	_ =	swait.ge [sflag:s29], $0x1  }
0xb7: {  	[sflag:s29] =	ssyncadd.s32 $0xFFFFFFFF  }
0xb8: {  	_ =	strace $0x90000048  }
0xb9: {  	_ =	sfence  }
0xba: {  	s30 =	sld [smem:$0x0];
	_ =	sdelay $0x2  }
0xbb: {  	s31 =	sshll.u32 s1, $0xD;
	s1 =	sshrl.u32 s1, $0x2  }
0xbc: {  	s3 =	sand.u32 $0x4000, s31;
	s1 =	sadd.s32 s1, s30  }
0xbd: {  	s0 =	sor.u32 s3, s0;
	s1 =	sshll.u32 s1, $0x11  }
0xbe: {  	s0 =	sor.u32 s1, s0  }
0xbf: {  	s0 =	sadd.s32 $0x8F2B, s0  }
0xc0: {  	[sflag:s0] =	ssyncadd.remote.s32 $0x1  }
0xc1: {  	_ =	sfence.sel $0xFFFF  }
0xc2: {  	[dreg:$0x0] =	wrdreg $0xFFFFFFFF;
	(pc) =	sbr.abs _section_cstart, $3  }
0xc3: {  	[dreg:$0x1] =	wrdreg $0xFFFFFFFF  }
0xc4: {  	_ =	task.clear_ibuf [dreg:s9], $0x2FFFF;
	_ =	strace $0x9FFFFFFF  }
0xc5: {  	(tm) =	ssettm $0x7FFFFFFF  }
tec
execute0_lowered:
.L_overlay_start_1:
0x0: {  	(tag) =	ssettag $0x1  }
0x1: {  	s0 =	rddreg [dreg:$0x0]  }
0x2: {  	s1 =	rddreg [dreg:$0x1];
	s2 =	srdreg.scid  }
0x3: {  	[dreg:$0x4] =	wrdreg s0;
	s0 =	stileid.u32  }
0x4: {  	s5 =	rddreg [dreg:$0x2];
	s2 =	sand.u32 $0x1, s2;
	s14 =	sshll.u32 s0, $0x1  }
0x5: {  	s3 =	simm.s32 $0x0;
	[dreg:$0x5] =	wrdreg s1;
	s9 =	sor.u32 s2, s14  }
0x6: {  	p0 =	por $0x0, $0x0;
	[smem:$0x7FF] =	sst s3;
	s4 =	smul.u32 $0x38000, s9  }
0x7: {  	s1 =	rddreg [dreg:$0x3];
	_ =	strace $0x80000047;
	s2 =	ssub.s32 $0x2, s2  }
0x8: {  	s6 =	sshll.u32 s9, $0x5;
	s7 =	smul.u32 $0x1C0000, s9;
	s4 =	sadd.s32 s5, s4  }
0x9: {  	s29 =	sshrl.u32 s2, $0x1;
	[dreg:$0x6] =	wrdreg s6;
	s15 =	sadd.s32 $0x1C00, s4  }
0xa: {  	s2 =	ssub.s32 s2, s29;
	s16 =	sadd.s32 $0x3800, s4;
	[dreg:$0x7] =	wrdreg s15  }
0xb: {  	s7 =	sshrl.u32 s7, $0x3;
	s17 =	sadd.s32 $0x5400, s4;
	[dreg:$0x8] =	wrdreg s16  }
0xc: {  	s18 =	sadd.s32 $0x7000, s4;
	s8 =	sadd.s32 s5, s7;
	[dreg:$0x9] =	wrdreg s17  }
0xd: {  	[dreg:$0xa] =	wrdreg s18;
	s5 =	sadd.s32 $0x8C00, s8;
	s19 =	sadd.s32 $0xA800, s8  }
0xe: {  	s20 =	sadd.s32 $0xC400, s8;
	s21 =	sadd.s32 $0xE000, s8;
	[dreg:$0xb] =	wrdreg s5  }
0xf: {  	s22 =	sadd.s32 $0xFC00, s8;
	s23 =	sadd.s32 $0x11800, s8;
	[dreg:$0xc] =	wrdreg s19  }
0x10: {  	s24 =	sadd.s32 $0x13400, s8;
	s25 =	sadd.s32 $0x15000, s8;
	[dreg:$0xd] =	wrdreg s20  }
0x11: {  	s26 =	sadd.s32 $0x16C00, s8;
	s28 =	sadd.s32 $0x18800, s8;
	[dreg:$0xe] =	wrdreg s21  }
0x12: {  	s30 =	sadd.s32 $0x1A400, s8;
	s31 =	sadd.s32 $0x1C000, s8;
	[dreg:$0xf] =	wrdreg s22  }
0x13: {  	s11 =	sadd.s32 $0x1DC00, s8;
	s12 =	sadd.s32 $0x1F800, s8;
	[dreg:$0x10] =	wrdreg s23  }
0x14: {  	s13 =	sadd.s32 $0x21400, s8;
	s14 =	sadd.s32 $0x23000, s8;
	[dreg:$0x11] =	wrdreg s24  }
0x15: {  	s15 =	sadd.s32 $0x24C00, s8;
	s16 =	sadd.s32 $0x26800, s8;
	[dreg:$0x12] =	wrdreg s25  }
0x16: {  	s17 =	sadd.s32 $0x28400, s8;
	[dreg:$0x13] =	wrdreg s26;
	s24 =	smax.u32 s2, $0x1  }
0x17: {  	s18 =	sadd.s32 $0x2A000, s8;
	[dreg:$0x14] =	wrdreg s28;
	p1 =	sne.s32 s24, $0x1  }
.Ltmp0:
0x18: {  	s10 =	sadd.s32 $0x2F400, s8;
	[dreg:$0x15] =	wrdreg s30;
	(pc) =	sbr.rel @!p1 .LBB2_3-.Ltmp0, $4  }
0x19: {  	s6 =	sadd.s32 $0x32C00, s8;
	s7 =	sadd.s32 $0x34800, s8;
	[dreg:$0x16] =	wrdreg s31  }
0x1a: {  	s19 =	sadd.s32 $0x2BC00, s8;
	s20 =	sadd.s32 $0x2D800, s8;
	s5 =	sadd.s32 $0x31000, s8  }
0x1b: {  	s8 =	sadd.s32 $0x36400, s8;
	s23 =	simm.s32 $0x3;
	s21 =	simm.s32 $0x80  }
0x1c: {  	s22 =	simm.s32 $0x1;
	s2 =	simm.s32 $0x2;
	s25 =	sadd.s32 $0xFFFFFFFF, s24  }
0x1d: {  	s24 =	rddreg [dreg:$0x5]  }
0x1e: {  	[tilespmem:s3], [sflag:$0x3] =	stream.linear.gather [hbm4b:s24+s3], $0x20, $0x38;
	[tilespmem:$0xE080] =	vst v63  }
0x1f: {  	_ =	swait.ge [sflag:s23], $0x20  }
0x20: {  	[sflag:s23] =	ssyncset.done $0x0  }
0x21: {  	[sflag:s23] =	ssyncadd.s32 $0xFFFFFFE0  }
0x22: {  	v0 =	vld [tilespmem:s9+$0x0];
	_ =	sdelay $0x4  }
0x23: {  	(v2sf) =	vpush v0, $0x0;
	_ =	sdelay $0xe  }
0x24: {  	s29 =	rddreg [dreg:$0x6];
	s26 =	spop (v2sf)  }
0x25: {  	s24 =	sadd.s32 s29, s26  }
0x26: {  	s24 =	smul.u32 $0xE000, s24;
	_ =	sdelay $0x1  }
0x27: {  	s30 =	rddreg [dreg:$0x4];
	s24 =	sshrl.u32 s24, $0x3  }
0x28: {  	s26 =	sadd.s32 s30, s24  }
0x29: {  	[tilespmem:s21], [sflag:$0x1] =	stream.linear.gather [hbm4b:s26+s3], $0xE000, $0x38;
	[tilespmem:$0xE080] =	vst v63  }
0x2a: {  	_ =	swait.ge [sflag:s22], $0xE000  }
0x2b: {  	[sflag:s22] =	ssyncset.done $0x0  }
0x2c: {  	[sflag:s22] =	ssyncadd.s32 $0xFFFF2000  }
0x2d: {  	[hbm4b:s4+s3] =	stream.linear.scatter [tilespmem:s21], [sflag:$0x2], $0xE000, $0x38;
	[tilespmem:$0xE080] =	vst v63  }
0x2e: {  	s31 =	rddreg [dreg:$0x7]  }
0x2f: {  	[hbm4b:s31+s3] =	stream.linear.scatter [tilespmem:s21], [sflag:$0x2], $0xE000, $0x38;
	[tilespmem:$0xE080] =	vst v63  }
0x30: {  	s28 =	rddreg [dreg:$0x8]  }
0x31: {  	[hbm4b:s28+s3] =	stream.linear.scatter [tilespmem:s21], [sflag:$0x2], $0xE000, $0x38;
	[tilespmem:$0xE080] =	vst v63  }
0x32: {  	s29 =	rddreg [dreg:$0x9]  }
0x33: {  	[hbm4b:s29+s3] =	stream.linear.scatter [tilespmem:s21], [sflag:$0x2], $0xE000, $0x38;
	[tilespmem:$0xE080] =	vst v63  }
0x34: {  	s30 =	rddreg [dreg:$0xa]  }
0x35: {  	[hbm4b:s30+s3] =	stream.linear.scatter [tilespmem:s21], [sflag:$0x2], $0xE000, $0x38;
	[tilespmem:$0xE080] =	vst v63  }
0x36: {  	s31 =	rddreg [dreg:$0xb]  }
0x37: {  	[hbm4b:s31+s3] =	stream.linear.scatter [tilespmem:s21], [sflag:$0x2], $0xE000, $0x38;
	[tilespmem:$0xE080] =	vst v63  }
0x38: {  	s29 =	rddreg [dreg:$0xc]  }
0x39: {  	[hbm4b:s29+s3] =	stream.linear.scatter [tilespmem:s21], [sflag:$0x2], $0xE000, $0x38;
	[tilespmem:$0xE080] =	vst v63  }
0x3a: {  	s30 =	rddreg [dreg:$0xd]  }
0x3b: {  	[hbm4b:s30+s3] =	stream.linear.scatter [tilespmem:s21], [sflag:$0x2], $0xE000, $0x38;
	[tilespmem:$0xE080] =	vst v63  }
0x3c: {  	s31 =	rddreg [dreg:$0xe]  }
0x3d: {  	[hbm4b:s31+s3] =	stream.linear.scatter [tilespmem:s21], [sflag:$0x2], $0xE000, $0x38;
	[tilespmem:$0xE080] =	vst v63  }
0x3e: {  	s29 =	rddreg [dreg:$0xf]  }
0x3f: {  	[hbm4b:s29+s3] =	stream.linear.scatter [tilespmem:s21], [sflag:$0x2], $0xE000, $0x38;
	[tilespmem:$0xE080] =	vst v63  }
0x40: {  	s30 =	rddreg [dreg:$0x10]  }
0x41: {  	[hbm4b:s30+s3] =	stream.linear.scatter [tilespmem:s21], [sflag:$0x2], $0xE000, $0x38;
	[tilespmem:$0xE080] =	vst v63  }
0x42: {  	s31 =	rddreg [dreg:$0x11]  }
0x43: {  	[hbm4b:s31+s3] =	stream.linear.scatter [tilespmem:s21], [sflag:$0x2], $0xE000, $0x38;
	[tilespmem:$0xE080] =	vst v63  }
0x44: {  	s29 =	rddreg [dreg:$0x12]  }
0x45: {  	[hbm4b:s29+s3] =	stream.linear.scatter [tilespmem:s21], [sflag:$0x2], $0xE000, $0x38;
	[tilespmem:$0xE080] =	vst v63  }
0x46: {  	s30 =	rddreg [dreg:$0x13]  }
0x47: {  	[hbm4b:s30+s3] =	stream.linear.scatter [tilespmem:s21], [sflag:$0x2], $0xE000, $0x38;
	[tilespmem:$0xE080] =	vst v63  }
0x48: {  	s31 =	rddreg [dreg:$0x14]  }
0x49: {  	[hbm4b:s31+s3] =	stream.linear.scatter [tilespmem:s21], [sflag:$0x2], $0xE000, $0x38;
	[tilespmem:$0xE080] =	vst v63  }
0x4a: {  	s29 =	rddreg [dreg:$0x15]  }
0x4b: {  	[hbm4b:s29+s3] =	stream.linear.scatter [tilespmem:s21], [sflag:$0x2], $0xE000, $0x38;
	[tilespmem:$0xE080] =	vst v63  }
0x4c: {  	s30 =	rddreg [dreg:$0x16]  }
0x4d: {  	[hbm4b:s30+s3] =	stream.linear.scatter [tilespmem:s21], [sflag:$0x2], $0xE000, $0x38;
	[tilespmem:$0xE080] =	vst v63  }
0x4e: {  	_ = 	snop  }
0x4f: {  	[hbm4b:s11+s3] =	stream.linear.scatter [tilespmem:s21], [sflag:$0x2], $0xE000, $0x38;
	[tilespmem:$0xE080] =	vst v63  }
0x50: {  	_ = 	snop  }
0x51: {  	[hbm4b:s12+s3] =	stream.linear.scatter [tilespmem:s21], [sflag:$0x2], $0xE000, $0x38;
	[tilespmem:$0xE080] =	vst v63  }
0x52: {  	_ = 	snop  }
0x53: {  	[hbm4b:s13+s3] =	stream.linear.scatter [tilespmem:s21], [sflag:$0x2], $0xE000, $0x38;
	[tilespmem:$0xE080] =	vst v63  }
0x54: {  	_ = 	snop  }
0x55: {  	[hbm4b:s14+s3] =	stream.linear.scatter [tilespmem:s21], [sflag:$0x2], $0xE000, $0x38;
	[tilespmem:$0xE080] =	vst v63  }
0x56: {  	_ = 	snop  }
0x57: {  	[hbm4b:s15+s3] =	stream.linear.scatter [tilespmem:s21], [sflag:$0x2], $0xE000, $0x38;
	[tilespmem:$0xE080] =	vst v63  }
0x58: {  	_ = 	snop  }
0x59: {  	[hbm4b:s16+s3] =	stream.linear.scatter [tilespmem:s21], [sflag:$0x2], $0xE000, $0x38;
	[tilespmem:$0xE080] =	vst v63  }
0x5a: {  	_ = 	snop  }
0x5b: {  	[hbm4b:s17+s3] =	stream.linear.scatter [tilespmem:s21], [sflag:$0x2], $0xE000, $0x38;
	[tilespmem:$0xE080] =	vst v63  }
0x5c: {  	_ = 	snop  }
0x5d: {  	[hbm4b:s18+s3] =	stream.linear.scatter [tilespmem:s21], [sflag:$0x2], $0xE000, $0x38;
	[tilespmem:$0xE080] =	vst v63  }
0x5e: {  	_ = 	snop  }
0x5f: {  	[hbm4b:s19+s3] =	stream.linear.scatter [tilespmem:s21], [sflag:$0x2], $0xE000, $0x38;
	[tilespmem:$0xE080] =	vst v63  }
0x60: {  	s31 =	sshll.u32 s0, $0x6  }
0x61: {  	[hbm4b:s20+s3] =	stream.linear.scatter [tilespmem:s21], [sflag:$0x2], $0xE000, $0x38;
	[tilespmem:$0xE080] =	vst v63  }
0x62: {  	s24 =	sor.u32 $0x1C02, s31  }
0x63: {  	[hbm4b:s10+s3] =	stream.linear.scatter [tilespmem:s21], [sflag:$0x2], $0xE000, $0x38;
	[tilespmem:$0xE080] =	vst v63  }
0x64: {  	[hbm:s5], [sflag:s24] =	dma.local [hbm:s26], $0x1C00  }
0x65: {  	[hbm:s6], [sflag:s24] =	dma.local [hbm:s26], $0x1C00  }
0x66: {  	[hbm:s7], [sflag:s24] =	dma.local [hbm:s26], $0x1C00  }
0x67: {  	[hbm:s8], [sflag:s24] =	dma.local [hbm:s26], $0x1C00  }
0x68: {  	_ =	swait.ge [sflag:s2], $0xE000  }
0x69: {  	[sflag:s2] =	ssyncset.done $0x0  }
0x6a: {  	[sflag:s2] =	ssyncadd.s32 $0xFFFF2000  }
0x6b: {  	_ =	swait.ge [sflag:s2], $0xE000  }
0x6c: {  	[sflag:s2] =	ssyncset.done $0x0  }
0x6d: {  	[sflag:s2] =	ssyncadd.s32 $0xFFFF2000  }
0x6e: {  	_ =	swait.ge [sflag:s2], $0xE000  }
0x6f: {  	[sflag:s2] =	ssyncset.done $0x0  }
0x70: {  	[sflag:s2] =	ssyncadd.s32 $0xFFFF2000  }
0x71: {  	_ =	swait.ge [sflag:s2], $0xE000  }
0x72: {  	[sflag:s2] =	ssyncset.done $0x0  }
0x73: {  	[sflag:s2] =	ssyncadd.s32 $0xFFFF2000  }
0x74: {  	_ =	swait.ge [sflag:s2], $0xE000  }
0x75: {  	[sflag:s2] =	ssyncset.done $0x0  }
0x76: {  	[sflag:s2] =	ssyncadd.s32 $0xFFFF2000  }
0x77: {  	_ =	swait.ge [sflag:s2], $0xE000  }
0x78: {  	[sflag:s2] =	ssyncset.done $0x0  }
0x79: {  	[sflag:s2] =	ssyncadd.s32 $0xFFFF2000  }
0x7a: {  	_ =	swait.ge [sflag:s2], $0xE000  }
0x7b: {  	[sflag:s2] =	ssyncset.done $0x0  }
0x7c: {  	[sflag:s2] =	ssyncadd.s32 $0xFFFF2000  }
0x7d: {  	_ =	swait.ge [sflag:s2], $0xE000  }
0x7e: {  	[sflag:s2] =	ssyncset.done $0x0  }
0x7f: {  	[sflag:s2] =	ssyncadd.s32 $0xFFFF2000  }
0x80: {  	_ =	swait.ge [sflag:s2], $0xE000  }
0x81: {  	[sflag:s2] =	ssyncset.done $0x0  }
0x82: {  	[sflag:s2] =	ssyncadd.s32 $0xFFFF2000  }
0x83: {  	_ =	swait.ge [sflag:s2], $0xE000  }
0x84: {  	[sflag:s2] =	ssyncset.done $0x0  }
0x85: {  	[sflag:s2] =	ssyncadd.s32 $0xFFFF2000  }
0x86: {  	_ =	swait.ge [sflag:s2], $0xE000  }
0x87: {  	[sflag:s2] =	ssyncset.done $0x0  }
0x88: {  	[sflag:s2] =	ssyncadd.s32 $0xFFFF2000  }
0x89: {  	_ =	swait.ge [sflag:s2], $0xE000  }
0x8a: {  	[sflag:s2] =	ssyncset.done $0x0  }
0x8b: {  	[sflag:s2] =	ssyncadd.s32 $0xFFFF2000  }
0x8c: {  	_ =	swait.ge [sflag:s2], $0xE000  }
0x8d: {  	[sflag:s2] =	ssyncset.done $0x0  }
0x8e: {  	[sflag:s2] =	ssyncadd.s32 $0xFFFF2000  }
0x8f: {  	_ =	swait.ge [sflag:s2], $0xE000  }
0x90: {  	[sflag:s2] =	ssyncset.done $0x0  }
0x91: {  	[sflag:s2] =	ssyncadd.s32 $0xFFFF2000  }
0x92: {  	_ =	swait.ge [sflag:s2], $0xE000  }
0x93: {  	[sflag:s2] =	ssyncset.done $0x0  }
0x94: {  	[sflag:s2] =	ssyncadd.s32 $0xFFFF2000  }
0x95: {  	_ =	swait.ge [sflag:s2], $0xE000  }
0x96: {  	[sflag:s2] =	ssyncset.done $0x0  }
0x97: {  	[sflag:s2] =	ssyncadd.s32 $0xFFFF2000  }
0x98: {  	_ =	swait.ge [sflag:s2], $0xE000  }
0x99: {  	[sflag:s2] =	ssyncset.done $0x0  }
0x9a: {  	[sflag:s2] =	ssyncadd.s32 $0xFFFF2000  }
0x9b: {  	_ =	swait.ge [sflag:s2], $0xE000  }
0x9c: {  	[sflag:s2] =	ssyncset.done $0x0  }
0x9d: {  	[sflag:s2] =	ssyncadd.s32 $0xFFFF2000  }
0x9e: {  	_ =	swait.ge [sflag:s2], $0xE000  }
0x9f: {  	[sflag:s2] =	ssyncset.done $0x0  }
0xa0: {  	[sflag:s2] =	ssyncadd.s32 $0xFFFF2000  }
0xa1: {  	_ =	swait.ge [sflag:s2], $0xE000  }
0xa2: {  	[sflag:s2] =	ssyncset.done $0x0  }
0xa3: {  	[sflag:s2] =	ssyncadd.s32 $0xFFFF2000  }
0xa4: {  	_ =	swait.ge [sflag:s2], $0xE000  }
0xa5: {  	[sflag:s2] =	ssyncset.done $0x0  }
0xa6: {  	[sflag:s2] =	ssyncadd.s32 $0xFFFF2000  }
0xa7: {  	_ =	swait.ge [sflag:s2], $0xE000  }
0xa8: {  	[sflag:s2] =	ssyncset.done $0x0  }
0xa9: {  	[sflag:s2] =	ssyncadd.s32 $0xFFFF2000  }
0xaa: {  	_ =	swait.ge [sflag:s2], $0xE000  }
0xab: {  	[sflag:s2] =	ssyncset.done $0x0  }
0xac: {  	[sflag:s2] =	ssyncadd.s32 $0xFFFF2000  }
0xad: {  	_ =	swait.ge [sflag:s2], $0xE000  }
0xae: {  	[sflag:s2] =	ssyncset.done $0x0  }
0xaf: {  	[sflag:s2] =	ssyncadd.s32 $0xFFFF2000  }
0xb0: {  	_ =	swait.ge [sflag:s2], $0xE000  }
0xb1: {  	[sflag:s2] =	ssyncset.done $0x0  }
0xb2: {  	[sflag:s2] =	ssyncadd.s32 $0xFFFF2000  }
0xb3: {  	_ =	swait.ge [sflag:s2], $0xE000  }
0xb4: {  	[sflag:s2] =	ssyncset.done $0x0  }
0xb5: {  	[sflag:s2] =	ssyncadd.s32 $0xFFFF2000  }
0xb6: {  	_ =	swait.ge [sflag:s2], $0xE000  }
0xb7: {  	[sflag:s2] =	ssyncset.done $0x0  }
0xb8: {  	[sflag:s2] =	ssyncadd.s32 $0xFFFF2000  }
0xb9: {  	_ =	swait.ge [sflag:s2], $0xE000  }
0xba: {  	[sflag:s2] =	ssyncset.done $0x0  }
0xbb: {  	[sflag:s2] =	ssyncadd.s32 $0xFFFF2000  }
0xbc: {  	_ =	swait.ge [sflag:s2], $0x1C00  }
0xbd: {  	[sflag:s2] =	ssyncset.done $0x0  }
0xbe: {  	[sflag:s2] =	ssyncadd.s32 $0xFFFFE400  }
0xbf: {  	_ =	swait.ge [sflag:s2], $0x1C00  }
0xc0: {  	p1 =	sne.s32 s25, $0x1;
	[sflag:s2] =	ssyncset.done $0x0  }
.Ltmp1:
0xc1: {  	[sflag:s2] =	ssyncadd.s32 $0xFFFFE400;
	(pc) =	sbr.rel @!p1 .LBB2_3-.Ltmp1, $4  }
0xc2: {  	_ =	swait.ge [sflag:s2], $0x1C00  }
0xc3: {  	[sflag:s2] =	ssyncset.done $0x0  }
0xc4: {  	[sflag:s2] =	ssyncadd.s32 $0xFFFFE400  }
0xc5: {  	s25 =	sadd.s32 $0xFFFFFFFF, s25;
	p0 =	por $0x1, $0x1;
	_ =	swait.ge [sflag:s2], $0x1C00  }
.LBB2_2:
0xc6: {  	[sflag:s2] =	ssyncset.done $0x0  }
0xc7: {  	s26 =	rddreg [dreg:$0x5];
	[sflag:s2] =	ssyncadd.s32 $0xFFFFE400  }
0xc8: {  	[tilespmem:s3], [sflag:$0x3] =	stream.linear.gather [hbm4b:s26+s3], $0x20, $0x38;
	[tilespmem:$0xE080] =	vst v63  }
0xc9: {  	_ =	swait.ge [sflag:s23], $0x20  }
0xca: {  	[sflag:s23] =	ssyncset.done $0x0  }
0xcb: {  	[sflag:s23] =	ssyncadd.s32 $0xFFFFFFE0  }
0xcc: {  	v0 =	vld [tilespmem:s9+$0x0];
	_ =	sdelay $0x4  }
0xcd: {  	(v2sf) =	vpush v0, $0x0;
	_ =	sdelay $0xe  }
0xce: {  	s29 =	rddreg [dreg:$0x6];
	s28 =	spop (v2sf)  }
0xcf: {  	s26 =	sadd.s32 s29, s28  }
0xd0: {  	s26 =	smul.u32 $0xE000, s26;
	_ =	sdelay $0x1  }
0xd1: {  	s30 =	rddreg [dreg:$0x4];
	s26 =	sshrl.u32 s26, $0x3  }
0xd2: {  	s26 =	sadd.s32 s30, s26  }
0xd3: {  	[tilespmem:s21], [sflag:$0x1] =	stream.linear.gather [hbm4b:s26+s3], $0xE000, $0x38;
	[tilespmem:$0xE080] =	vst v63  }
0xd4: {  	_ =	swait.ge [sflag:s22], $0xE000  }
0xd5: {  	[sflag:s22] =	ssyncset.done $0x0  }
0xd6: {  	[sflag:s22] =	ssyncadd.s32 $0xFFFF2000  }
0xd7: {  	[hbm4b:s4+s3] =	stream.linear.scatter [tilespmem:s21], [sflag:$0x2], $0xE000, $0x38;
	[tilespmem:$0xE080] =	vst v63  }
0xd8: {  	s31 =	rddreg [dreg:$0x7]  }
0xd9: {  	[hbm4b:s31+s3] =	stream.linear.scatter [tilespmem:s21], [sflag:$0x2], $0xE000, $0x38;
	[tilespmem:$0xE080] =	vst v63  }
0xda: {  	s29 =	rddreg [dreg:$0x8]  }
0xdb: {  	[hbm4b:s29+s3] =	stream.linear.scatter [tilespmem:s21], [sflag:$0x2], $0xE000, $0x38;
	[tilespmem:$0xE080] =	vst v63  }
0xdc: {  	s30 =	rddreg [dreg:$0x9]  }
0xdd: {  	[hbm4b:s30+s3] =	stream.linear.scatter [tilespmem:s21], [sflag:$0x2], $0xE000, $0x38;
	[tilespmem:$0xE080] =	vst v63  }
0xde: {  	s31 =	rddreg [dreg:$0xa]  }
0xdf: {  	[hbm4b:s31+s3] =	stream.linear.scatter [tilespmem:s21], [sflag:$0x2], $0xE000, $0x38;
	[tilespmem:$0xE080] =	vst v63  }
0xe0: {  	s30 =	rddreg [dreg:$0xb]  }
0xe1: {  	[hbm4b:s30+s3] =	stream.linear.scatter [tilespmem:s21], [sflag:$0x2], $0xE000, $0x38;
	[tilespmem:$0xE080] =	vst v63  }
0xe2: {  	s31 =	rddreg [dreg:$0xc]  }
0xe3: {  	[hbm4b:s31+s3] =	stream.linear.scatter [tilespmem:s21], [sflag:$0x2], $0xE000, $0x38;
	[tilespmem:$0xE080] =	vst v63  }
0xe4: {  	s30 =	rddreg [dreg:$0xd]  }
0xe5: {  	[hbm4b:s30+s3] =	stream.linear.scatter [tilespmem:s21], [sflag:$0x2], $0xE000, $0x38;
	[tilespmem:$0xE080] =	vst v63  }
0xe6: {  	s31 =	rddreg [dreg:$0xe]  }
0xe7: {  	[hbm4b:s31+s3] =	stream.linear.scatter [tilespmem:s21], [sflag:$0x2], $0xE000, $0x38;
	[tilespmem:$0xE080] =	vst v63  }
0xe8: {  	s30 =	rddreg [dreg:$0xf]  }
0xe9: {  	[hbm4b:s30+s3] =	stream.linear.scatter [tilespmem:s21], [sflag:$0x2], $0xE000, $0x38;
	[tilespmem:$0xE080] =	vst v63  }
0xea: {  	s31 =	rddreg [dreg:$0x10]  }
0xeb: {  	[hbm4b:s31+s3] =	stream.linear.scatter [tilespmem:s21], [sflag:$0x2], $0xE000, $0x38;
	[tilespmem:$0xE080] =	vst v63  }
0xec: {  	s30 =	rddreg [dreg:$0x11]  }
0xed: {  	[hbm4b:s30+s3] =	stream.linear.scatter [tilespmem:s21], [sflag:$0x2], $0xE000, $0x38;
	[tilespmem:$0xE080] =	vst v63  }
0xee: {  	s31 =	rddreg [dreg:$0x12]  }
0xef: {  	[hbm4b:s31+s3] =	stream.linear.scatter [tilespmem:s21], [sflag:$0x2], $0xE000, $0x38;
	[tilespmem:$0xE080] =	vst v63  }
0xf0: {  	s30 =	rddreg [dreg:$0x13]  }
0xf1: {  	[hbm4b:s30+s3] =	stream.linear.scatter [tilespmem:s21], [sflag:$0x2], $0xE000, $0x38;
	[tilespmem:$0xE080] =	vst v63  }
0xf2: {  	s31 =	rddreg [dreg:$0x14]  }
0xf3: {  	[hbm4b:s31+s3] =	stream.linear.scatter [tilespmem:s21], [sflag:$0x2], $0xE000, $0x38;
	[tilespmem:$0xE080] =	vst v63  }
0xf4: {  	s30 =	rddreg [dreg:$0x15]  }
0xf5: {  	[hbm4b:s30+s3] =	stream.linear.scatter [tilespmem:s21], [sflag:$0x2], $0xE000, $0x38;
	[tilespmem:$0xE080] =	vst v63  }
0xf6: {  	s31 =	rddreg [dreg:$0x16]  }
0xf7: {  	[hbm4b:s31+s3] =	stream.linear.scatter [tilespmem:s21], [sflag:$0x2], $0xE000, $0x38;
	[tilespmem:$0xE080] =	vst v63  }
0xf8: {  	_ = 	snop  }
0xf9: {  	[hbm4b:s11+s3] =	stream.linear.scatter [tilespmem:s21], [sflag:$0x2], $0xE000, $0x38;
	[tilespmem:$0xE080] =	vst v63  }
0xfa: {  	_ = 	snop  }
0xfb: {  	[hbm4b:s12+s3] =	stream.linear.scatter [tilespmem:s21], [sflag:$0x2], $0xE000, $0x38;
	[tilespmem:$0xE080] =	vst v63  }
0xfc: {  	_ = 	snop  }
0xfd: {  	[hbm4b:s13+s3] =	stream.linear.scatter [tilespmem:s21], [sflag:$0x2], $0xE000, $0x38;
	[tilespmem:$0xE080] =	vst v63  }
0xfe: {  	_ = 	snop  }
0xff: {  	[hbm4b:s14+s3] =	stream.linear.scatter [tilespmem:s21], [sflag:$0x2], $0xE000, $0x38;
	[tilespmem:$0xE080] =	vst v63  }
0x100: {  	_ = 	snop  }
0x101: {  	[hbm4b:s15+s3] =	stream.linear.scatter [tilespmem:s21], [sflag:$0x2], $0xE000, $0x38;
	[tilespmem:$0xE080] =	vst v63  }
0x102: {  	_ = 	snop  }
0x103: {  	[hbm4b:s16+s3] =	stream.linear.scatter [tilespmem:s21], [sflag:$0x2], $0xE000, $0x38;
	[tilespmem:$0xE080] =	vst v63  }
0x104: {  	_ = 	snop  }
0x105: {  	[hbm4b:s17+s3] =	stream.linear.scatter [tilespmem:s21], [sflag:$0x2], $0xE000, $0x38;
	[tilespmem:$0xE080] =	vst v63  }
0x106: {  	_ = 	snop  }
0x107: {  	[hbm4b:s18+s3] =	stream.linear.scatter [tilespmem:s21], [sflag:$0x2], $0xE000, $0x38;
	[tilespmem:$0xE080] =	vst v63  }
0x108: {  	_ = 	snop  }
0x109: {  	[hbm4b:s19+s3] =	stream.linear.scatter [tilespmem:s21], [sflag:$0x2], $0xE000, $0x38;
	[tilespmem:$0xE080] =	vst v63  }
0x10a: {  	_ = 	snop  }
0x10b: {  	[hbm4b:s20+s3] =	stream.linear.scatter [tilespmem:s21], [sflag:$0x2], $0xE000, $0x38;
	[tilespmem:$0xE080] =	vst v63  }
0x10c: {  	_ = 	snop  }
0x10d: {  	[hbm4b:s10+s3] =	stream.linear.scatter [tilespmem:s21], [sflag:$0x2], $0xE000, $0x38;
	[tilespmem:$0xE080] =	vst v63  }
0x10e: {  	[hbm:s5], [sflag:s24] =	dma.local [hbm:s26], $0x1C00  }
0x10f: {  	[hbm:s6], [sflag:s24] =	dma.local [hbm:s26], $0x1C00  }
0x110: {  	[hbm:s7], [sflag:s24] =	dma.local [hbm:s26], $0x1C00  }
0x111: {  	[hbm:s8], [sflag:s24] =	dma.local [hbm:s26], $0x1C00  }
0x112: {  	_ =	swait.ge [sflag:s2], $0xE000  }
0x113: {  	[sflag:s2] =	ssyncset.done $0x0  }
0x114: {  	[sflag:s2] =	ssyncadd.s32 $0xFFFF2000  }
0x115: {  	_ =	swait.ge [sflag:s2], $0xE000  }
0x116: {  	[sflag:s2] =	ssyncset.done $0x0  }
0x117: {  	[sflag:s2] =	ssyncadd.s32 $0xFFFF2000  }
0x118: {  	_ =	swait.ge [sflag:s2], $0xE000  }
0x119: {  	[sflag:s2] =	ssyncset.done $0x0  }
0x11a: {  	[sflag:s2] =	ssyncadd.s32 $0xFFFF2000  }
0x11b: {  	_ =	swait.ge [sflag:s2], $0xE000  }
0x11c: {  	[sflag:s2] =	ssyncset.done $0x0  }
0x11d: {  	[sflag:s2] =	ssyncadd.s32 $0xFFFF2000  }
0x11e: {  	_ =	swait.ge [sflag:s2], $0xE000  }
0x11f: {  	[sflag:s2] =	ssyncset.done $0x0  }
0x120: {  	[sflag:s2] =	ssyncadd.s32 $0xFFFF2000  }
0x121: {  	_ =	swait.ge [sflag:s2], $0xE000  }
0x122: {  	[sflag:s2] =	ssyncset.done $0x0  }
0x123: {  	[sflag:s2] =	ssyncadd.s32 $0xFFFF2000  }
0x124: {  	_ =	swait.ge [sflag:s2], $0xE000  }
0x125: {  	[sflag:s2] =	ssyncset.done $0x0  }
0x126: {  	[sflag:s2] =	ssyncadd.s32 $0xFFFF2000  }
0x127: {  	_ =	swait.ge [sflag:s2], $0xE000  }
0x128: {  	[sflag:s2] =	ssyncset.done $0x0  }
0x129: {  	[sflag:s2] =	ssyncadd.s32 $0xFFFF2000  }
0x12a: {  	_ =	swait.ge [sflag:s2], $0xE000  }
0x12b: {  	[sflag:s2] =	ssyncset.done $0x0  }
0x12c: {  	[sflag:s2] =	ssyncadd.s32 $0xFFFF2000  }
0x12d: {  	_ =	swait.ge [sflag:s2], $0xE000  }
0x12e: {  	[sflag:s2] =	ssyncset.done $0x0  }
0x12f: {  	[sflag:s2] =	ssyncadd.s32 $0xFFFF2000  }
0x130: {  	_ =	swait.ge [sflag:s2], $0xE000  }
0x131: {  	[sflag:s2] =	ssyncset.done $0x0  }
0x132: {  	[sflag:s2] =	ssyncadd.s32 $0xFFFF2000  }
0x133: {  	_ =	swait.ge [sflag:s2], $0xE000  }
0x134: {  	[sflag:s2] =	ssyncset.done $0x0  }
0x135: {  	[sflag:s2] =	ssyncadd.s32 $0xFFFF2000  }
0x136: {  	_ =	swait.ge [sflag:s2], $0xE000  }
0x137: {  	[sflag:s2] =	ssyncset.done $0x0  }
0x138: {  	[sflag:s2] =	ssyncadd.s32 $0xFFFF2000  }
0x139: {  	_ =	swait.ge [sflag:s2], $0xE000  }
0x13a: {  	[sflag:s2] =	ssyncset.done $0x0  }
0x13b: {  	[sflag:s2] =	ssyncadd.s32 $0xFFFF2000  }
0x13c: {  	_ =	swait.ge [sflag:s2], $0xE000  }
0x13d: {  	[sflag:s2] =	ssyncset.done $0x0  }
0x13e: {  	[sflag:s2] =	ssyncadd.s32 $0xFFFF2000  }
0x13f: {  	_ =	swait.ge [sflag:s2], $0xE000  }
0x140: {  	[sflag:s2] =	ssyncset.done $0x0  }
0x141: {  	[sflag:s2] =	ssyncadd.s32 $0xFFFF2000  }
0x142: {  	_ =	swait.ge [sflag:s2], $0xE000  }
0x143: {  	[sflag:s2] =	ssyncset.done $0x0  }
0x144: {  	[sflag:s2] =	ssyncadd.s32 $0xFFFF2000  }
0x145: {  	_ =	swait.ge [sflag:s2], $0xE000  }
0x146: {  	[sflag:s2] =	ssyncset.done $0x0  }
0x147: {  	[sflag:s2] =	ssyncadd.s32 $0xFFFF2000  }
0x148: {  	_ =	swait.ge [sflag:s2], $0xE000  }
0x149: {  	[sflag:s2] =	ssyncset.done $0x0  }
0x14a: {  	[sflag:s2] =	ssyncadd.s32 $0xFFFF2000  }
0x14b: {  	_ =	swait.ge [sflag:s2], $0xE000  }
0x14c: {  	[sflag:s2] =	ssyncset.done $0x0  }
0x14d: {  	[sflag:s2] =	ssyncadd.s32 $0xFFFF2000  }
0x14e: {  	_ =	swait.ge [sflag:s2], $0xE000  }
0x14f: {  	[sflag:s2] =	ssyncset.done $0x0  }
0x150: {  	[sflag:s2] =	ssyncadd.s32 $0xFFFF2000  }
0x151: {  	_ =	swait.ge [sflag:s2], $0xE000  }
0x152: {  	[sflag:s2] =	ssyncset.done $0x0  }
0x153: {  	[sflag:s2] =	ssyncadd.s32 $0xFFFF2000  }
0x154: {  	_ =	swait.ge [sflag:s2], $0xE000  }
0x155: {  	[sflag:s2] =	ssyncset.done $0x0  }
0x156: {  	[sflag:s2] =	ssyncadd.s32 $0xFFFF2000  }
0x157: {  	_ =	swait.ge [sflag:s2], $0xE000  }
0x158: {  	[sflag:s2] =	ssyncset.done $0x0  }
0x159: {  	[sflag:s2] =	ssyncadd.s32 $0xFFFF2000  }
0x15a: {  	_ =	swait.ge [sflag:s2], $0xE000  }
0x15b: {  	[sflag:s2] =	ssyncset.done $0x0  }
0x15c: {  	[sflag:s2] =	ssyncadd.s32 $0xFFFF2000  }
0x15d: {  	_ =	swait.ge [sflag:s2], $0xE000  }
0x15e: {  	[sflag:s2] =	ssyncset.done $0x0  }
0x15f: {  	[sflag:s2] =	ssyncadd.s32 $0xFFFF2000  }
0x160: {  	_ =	swait.ge [sflag:s2], $0xE000  }
0x161: {  	[sflag:s2] =	ssyncset.done $0x0  }
0x162: {  	[sflag:s2] =	ssyncadd.s32 $0xFFFF2000  }
0x163: {  	_ =	swait.ge [sflag:s2], $0xE000  }
0x164: {  	[sflag:s2] =	ssyncset.done $0x0  }
0x165: {  	[sflag:s2] =	ssyncadd.s32 $0xFFFF2000  }
0x166: {  	_ =	swait.ge [sflag:s2], $0x1C00  }
0x167: {  	[sflag:s2] =	ssyncset.done $0x0  }
0x168: {  	[sflag:s2] =	ssyncadd.s32 $0xFFFFE400  }
0x169: {  	_ =	swait.ge [sflag:s2], $0x1C00  }
0x16a: {  	p1 =	sne.s32 s25, $0x1;
	[sflag:s2] =	ssyncset.done $0x0  }
.Ltmp2:
0x16b: {  	[sflag:s2] =	ssyncadd.s32 $0xFFFFE400;
	(pc) =	sbr.rel @p1 .LBB2_2-.Ltmp2, $4  }
0x16c: {  	_ =	swait.ge [sflag:s2], $0x1C00  }
0x16d: {  	[sflag:s2] =	ssyncset.done $0x0  }
0x16e: {  	[sflag:s2] =	ssyncadd.s32 $0xFFFFE400  }
0x16f: {  	s25 =	sadd.s32 $0xFFFFFFFF, s25;
	_ =	swait.ge [sflag:s2], $0x1C00  }
.LBB2_3:
0x170: {  	[sflag:s2] =	ssyncset.done @p0 $0x0  }
0x171: {  	s24 =	rddreg [dreg:$0x5];
	[sflag:s2] =	ssyncadd.s32 @p0 $0xFFFFE400  }
0x172: {  	[tilespmem:s3], [sflag:$0x3] =	stream.linear.gather [hbm4b:s24+s3], $0x20, $0x38;
	[tilespmem:$0xE080] =	vst v63  }
0x173: {  	_ =	swait.ge [sflag:s23], $0x20  }
0x174: {  	[sflag:s23] =	ssyncset.done $0x0  }
0x175: {  	[sflag:s23] =	ssyncadd.s32 $0xFFFFFFE0  }
0x176: {  	v0 =	vld [tilespmem:s9+$0x0];
	_ =	sdelay $0x4  }
0x177: {  	(v2sf) =	vpush v0, $0x0;
	_ =	sdelay $0xe  }
0x178: {  	s26 =	rddreg [dreg:$0x6];
	s28 =	spop (v2sf)  }
0x179: {  	s9 =	sadd.s32 s26, s28  }
0x17a: {  	s9 =	smul.u32 $0xE000, s9;
	_ =	sdelay $0x1  }
0x17b: {  	s29 =	rddreg [dreg:$0x4];
	s9 =	sshrl.u32 s9, $0x3  }
0x17c: {  	s9 =	sadd.s32 s29, s9  }
0x17d: {  	[tilespmem:s21], [sflag:$0x1] =	stream.linear.gather [hbm4b:s9+s3], $0xE000, $0x38;
	[tilespmem:$0xE080] =	vst v63  }
0x17e: {  	_ =	swait.ge [sflag:s22], $0xE000  }
0x17f: {  	[sflag:s22] =	ssyncset.done $0x0  }
0x180: {  	[sflag:s22] =	ssyncadd.s32 $0xFFFF2000  }
0x181: {  	[hbm4b:s4+s3] =	stream.linear.scatter [tilespmem:s21], [sflag:$0x2], $0xE000, $0x38;
	[tilespmem:$0xE080] =	vst v63  }
0x182: {  	s30 =	rddreg [dreg:$0x7]  }
0x183: {  	[hbm4b:s30+s3] =	stream.linear.scatter [tilespmem:s21], [sflag:$0x2], $0xE000, $0x38;
	[tilespmem:$0xE080] =	vst v63  }
0x184: {  	s31 =	rddreg [dreg:$0x8]  }
0x185: {  	[hbm4b:s31+s3] =	stream.linear.scatter [tilespmem:s21], [sflag:$0x2], $0xE000, $0x38;
	[tilespmem:$0xE080] =	vst v63  }
0x186: {  	s23 =	rddreg [dreg:$0x9]  }
0x187: {  	[hbm4b:s23+s3] =	stream.linear.scatter [tilespmem:s21], [sflag:$0x2], $0xE000, $0x38;
	[tilespmem:$0xE080] =	vst v63  }
0x188: {  	s24 =	rddreg [dreg:$0xa]  }
0x189: {  	[hbm4b:s24+s3] =	stream.linear.scatter [tilespmem:s21], [sflag:$0x2], $0xE000, $0x38;
	[tilespmem:$0xE080] =	vst v63  }
0x18a: {  	s25 =	rddreg [dreg:$0xb]  }
0x18b: {  	[hbm4b:s25+s3] =	stream.linear.scatter [tilespmem:s21], [sflag:$0x2], $0xE000, $0x38;
	[tilespmem:$0xE080] =	vst v63  }
0x18c: {  	s26 =	rddreg [dreg:$0xc]  }
0x18d: {  	[hbm4b:s26+s3] =	stream.linear.scatter [tilespmem:s21], [sflag:$0x2], $0xE000, $0x38;
	[tilespmem:$0xE080] =	vst v63  }
0x18e: {  	s28 =	rddreg [dreg:$0xd]  }
0x18f: {  	[hbm4b:s28+s3] =	stream.linear.scatter [tilespmem:s21], [sflag:$0x2], $0xE000, $0x38;
	[tilespmem:$0xE080] =	vst v63  }
0x190: {  	s29 =	rddreg [dreg:$0xe]  }
0x191: {  	[hbm4b:s29+s3] =	stream.linear.scatter [tilespmem:s21], [sflag:$0x2], $0xE000, $0x38;
	[tilespmem:$0xE080] =	vst v63  }
0x192: {  	s30 =	rddreg [dreg:$0xf]  }
0x193: {  	[hbm4b:s30+s3] =	stream.linear.scatter [tilespmem:s21], [sflag:$0x2], $0xE000, $0x38;
	[tilespmem:$0xE080] =	vst v63  }
0x194: {  	s31 =	rddreg [dreg:$0x10]  }
0x195: {  	[hbm4b:s31+s3] =	stream.linear.scatter [tilespmem:s21], [sflag:$0x2], $0xE000, $0x38;
	[tilespmem:$0xE080] =	vst v63  }
0x196: {  	s23 =	rddreg [dreg:$0x11]  }
0x197: {  	[hbm4b:s23+s3] =	stream.linear.scatter [tilespmem:s21], [sflag:$0x2], $0xE000, $0x38;
	[tilespmem:$0xE080] =	vst v63  }
0x198: {  	s24 =	rddreg [dreg:$0x12]  }
0x199: {  	[hbm4b:s24+s3] =	stream.linear.scatter [tilespmem:s21], [sflag:$0x2], $0xE000, $0x38;
	[tilespmem:$0xE080] =	vst v63  }
0x19a: {  	s25 =	rddreg [dreg:$0x13]  }
0x19b: {  	[hbm4b:s25+s3] =	stream.linear.scatter [tilespmem:s21], [sflag:$0x2], $0xE000, $0x38;
	[tilespmem:$0xE080] =	vst v63  }
0x19c: {  	s26 =	rddreg [dreg:$0x14]  }
0x19d: {  	[hbm4b:s26+s3] =	stream.linear.scatter [tilespmem:s21], [sflag:$0x2], $0xE000, $0x38;
	[tilespmem:$0xE080] =	vst v63  }
0x19e: {  	s28 =	rddreg [dreg:$0x15]  }
0x19f: {  	[hbm4b:s28+s3] =	stream.linear.scatter [tilespmem:s21], [sflag:$0x2], $0xE000, $0x38;
	[tilespmem:$0xE080] =	vst v63  }
0x1a0: {  	s29 =	rddreg [dreg:$0x16]  }
0x1a1: {  	[hbm4b:s29+s3] =	stream.linear.scatter [tilespmem:s21], [sflag:$0x2], $0xE000, $0x38;
	[tilespmem:$0xE080] =	vst v63  }
0x1a2: {  	_ = 	snop  }
0x1a3: {  	[hbm4b:s11+s3] =	stream.linear.scatter [tilespmem:s21], [sflag:$0x2], $0xE000, $0x38;
	[tilespmem:$0xE080] =	vst v63  }
0x1a4: {  	_ = 	snop  }
0x1a5: {  	[hbm4b:s12+s3] =	stream.linear.scatter [tilespmem:s21], [sflag:$0x2], $0xE000, $0x38;
	[tilespmem:$0xE080] =	vst v63  }
0x1a6: {  	_ = 	snop  }
0x1a7: {  	[hbm4b:s13+s3] =	stream.linear.scatter [tilespmem:s21], [sflag:$0x2], $0xE000, $0x38;
	[tilespmem:$0xE080] =	vst v63  }
0x1a8: {  	_ = 	snop  }
0x1a9: {  	[hbm4b:s14+s3] =	stream.linear.scatter [tilespmem:s21], [sflag:$0x2], $0xE000, $0x38;
	[tilespmem:$0xE080] =	vst v63  }
0x1aa: {  	_ = 	snop  }
0x1ab: {  	[hbm4b:s15+s3] =	stream.linear.scatter [tilespmem:s21], [sflag:$0x2], $0xE000, $0x38;
	[tilespmem:$0xE080] =	vst v63  }
0x1ac: {  	_ = 	snop  }
0x1ad: {  	[hbm4b:s16+s3] =	stream.linear.scatter [tilespmem:s21], [sflag:$0x2], $0xE000, $0x38;
	[tilespmem:$0xE080] =	vst v63  }
0x1ae: {  	_ = 	snop  }
0x1af: {  	[hbm4b:s17+s3] =	stream.linear.scatter [tilespmem:s21], [sflag:$0x2], $0xE000, $0x38;
	[tilespmem:$0xE080] =	vst v63  }
0x1b0: {  	_ = 	snop  }
0x1b1: {  	[hbm4b:s18+s3] =	stream.linear.scatter [tilespmem:s21], [sflag:$0x2], $0xE000, $0x38;
	[tilespmem:$0xE080] =	vst v63  }
0x1b2: {  	_ = 	snop  }
0x1b3: {  	[hbm4b:s19+s3] =	stream.linear.scatter [tilespmem:s21], [sflag:$0x2], $0xE000, $0x38;
	[tilespmem:$0xE080] =	vst v63  }
0x1b4: {  	s30 =	sshll.u32 s0, $0x6  }
0x1b5: {  	[hbm4b:s20+s3] =	stream.linear.scatter [tilespmem:s21], [sflag:$0x2], $0xE000, $0x38;
	[tilespmem:$0xE080] =	vst v63  }
0x1b6: {  	s31 =	sor.u32 $0x1C02, s30  }
0x1b7: {  	[hbm4b:s10+s3] =	stream.linear.scatter [tilespmem:s21], [sflag:$0x2], $0xE000, $0x38;
	[tilespmem:$0xE080] =	vst v63  }
0x1b8: {  	[hbm:s5], [sflag:s31] =	dma.local [hbm:s9], $0x1C00  }
0x1b9: {  	[hbm:s6], [sflag:s31] =	dma.local [hbm:s9], $0x1C00  }
0x1ba: {  	[hbm:s7], [sflag:s31] =	dma.local [hbm:s9], $0x1C00  }
0x1bb: {  	[hbm:s8], [sflag:s31] =	dma.local [hbm:s9], $0x1C00  }
0x1bc: {  	_ =	swait.ge [sflag:s2], $0xE000  }
0x1bd: {  	[sflag:s2] =	ssyncset.done $0x0  }
0x1be: {  	[sflag:s2] =	ssyncadd.s32 $0xFFFF2000  }
0x1bf: {  	_ =	swait.ge [sflag:s2], $0xE000  }
0x1c0: {  	[sflag:s2] =	ssyncset.done $0x0  }
0x1c1: {  	[sflag:s2] =	ssyncadd.s32 $0xFFFF2000  }
0x1c2: {  	_ =	swait.ge [sflag:s2], $0xE000  }
0x1c3: {  	[sflag:s2] =	ssyncset.done $0x0  }
0x1c4: {  	[sflag:s2] =	ssyncadd.s32 $0xFFFF2000  }
0x1c5: {  	_ =	swait.ge [sflag:s2], $0xE000  }
0x1c6: {  	[sflag:s2] =	ssyncset.done $0x0  }
0x1c7: {  	[sflag:s2] =	ssyncadd.s32 $0xFFFF2000  }
0x1c8: {  	_ =	swait.ge [sflag:s2], $0xE000  }
0x1c9: {  	[sflag:s2] =	ssyncset.done $0x0  }
0x1ca: {  	[sflag:s2] =	ssyncadd.s32 $0xFFFF2000  }
0x1cb: {  	_ =	swait.ge [sflag:s2], $0xE000  }
0x1cc: {  	[sflag:s2] =	ssyncset.done $0x0  }
0x1cd: {  	[sflag:s2] =	ssyncadd.s32 $0xFFFF2000  }
0x1ce: {  	_ =	swait.ge [sflag:s2], $0xE000  }
0x1cf: {  	[sflag:s2] =	ssyncset.done $0x0  }
0x1d0: {  	[sflag:s2] =	ssyncadd.s32 $0xFFFF2000  }
0x1d1: {  	_ =	swait.ge [sflag:s2], $0xE000  }
0x1d2: {  	[sflag:s2] =	ssyncset.done $0x0  }
0x1d3: {  	[sflag:s2] =	ssyncadd.s32 $0xFFFF2000  }
0x1d4: {  	_ =	swait.ge [sflag:s2], $0xE000  }
0x1d5: {  	[sflag:s2] =	ssyncset.done $0x0  }
0x1d6: {  	[sflag:s2] =	ssyncadd.s32 $0xFFFF2000  }
0x1d7: {  	_ =	swait.ge [sflag:s2], $0xE000  }
0x1d8: {  	[sflag:s2] =	ssyncset.done $0x0  }
0x1d9: {  	[sflag:s2] =	ssyncadd.s32 $0xFFFF2000  }
0x1da: {  	_ =	swait.ge [sflag:s2], $0xE000  }
0x1db: {  	[sflag:s2] =	ssyncset.done $0x0  }
0x1dc: {  	[sflag:s2] =	ssyncadd.s32 $0xFFFF2000  }
0x1dd: {  	_ =	swait.ge [sflag:s2], $0xE000  }
0x1de: {  	[sflag:s2] =	ssyncset.done $0x0  }
0x1df: {  	[sflag:s2] =	ssyncadd.s32 $0xFFFF2000  }
0x1e0: {  	_ =	swait.ge [sflag:s2], $0xE000  }
0x1e1: {  	[sflag:s2] =	ssyncset.done $0x0  }
0x1e2: {  	[sflag:s2] =	ssyncadd.s32 $0xFFFF2000  }
0x1e3: {  	_ =	swait.ge [sflag:s2], $0xE000  }
0x1e4: {  	[sflag:s2] =	ssyncset.done $0x0  }
0x1e5: {  	[sflag:s2] =	ssyncadd.s32 $0xFFFF2000  }
0x1e6: {  	_ =	swait.ge [sflag:s2], $0xE000  }
0x1e7: {  	[sflag:s2] =	ssyncset.done $0x0  }
0x1e8: {  	[sflag:s2] =	ssyncadd.s32 $0xFFFF2000  }
0x1e9: {  	_ =	swait.ge [sflag:s2], $0xE000  }
0x1ea: {  	[sflag:s2] =	ssyncset.done $0x0  }
0x1eb: {  	[sflag:s2] =	ssyncadd.s32 $0xFFFF2000  }
0x1ec: {  	_ =	swait.ge [sflag:s2], $0xE000  }
0x1ed: {  	[sflag:s2] =	ssyncset.done $0x0  }
0x1ee: {  	[sflag:s2] =	ssyncadd.s32 $0xFFFF2000  }
0x1ef: {  	_ =	swait.ge [sflag:s2], $0xE000  }
0x1f0: {  	[sflag:s2] =	ssyncset.done $0x0  }
0x1f1: {  	[sflag:s2] =	ssyncadd.s32 $0xFFFF2000  }
0x1f2: {  	_ =	swait.ge [sflag:s2], $0xE000  }
0x1f3: {  	[sflag:s2] =	ssyncset.done $0x0  }
0x1f4: {  	[sflag:s2] =	ssyncadd.s32 $0xFFFF2000  }
0x1f5: {  	_ =	swait.ge [sflag:s2], $0xE000  }
0x1f6: {  	[sflag:s2] =	ssyncset.done $0x0  }
0x1f7: {  	[sflag:s2] =	ssyncadd.s32 $0xFFFF2000  }
0x1f8: {  	_ =	swait.ge [sflag:s2], $0xE000  }
0x1f9: {  	[sflag:s2] =	ssyncset.done $0x0  }
0x1fa: {  	[sflag:s2] =	ssyncadd.s32 $0xFFFF2000  }
0x1fb: {  	_ =	swait.ge [sflag:s2], $0xE000  }
0x1fc: {  	[sflag:s2] =	ssyncset.done $0x0  }
0x1fd: {  	[sflag:s2] =	ssyncadd.s32 $0xFFFF2000  }
0x1fe: {  	_ =	swait.ge [sflag:s2], $0xE000  }
0x1ff: {  	[sflag:s2] =	ssyncset.done $0x0  }
0x200: {  	[sflag:s2] =	ssyncadd.s32 $0xFFFF2000  }
0x201: {  	_ =	swait.ge [sflag:s2], $0xE000  }
0x202: {  	[sflag:s2] =	ssyncset.done $0x0  }
0x203: {  	[sflag:s2] =	ssyncadd.s32 $0xFFFF2000  }
0x204: {  	_ =	swait.ge [sflag:s2], $0xE000  }
0x205: {  	[sflag:s2] =	ssyncset.done $0x0  }
0x206: {  	[sflag:s2] =	ssyncadd.s32 $0xFFFF2000  }
0x207: {  	_ =	swait.ge [sflag:s2], $0xE000  }
0x208: {  	[sflag:s2] =	ssyncset.done $0x0  }
0x209: {  	[sflag:s2] =	ssyncadd.s32 $0xFFFF2000  }
0x20a: {  	_ =	swait.ge [sflag:s2], $0xE000  }
0x20b: {  	[sflag:s2] =	ssyncset.done $0x0  }
0x20c: {  	[sflag:s2] =	ssyncadd.s32 $0xFFFF2000  }
0x20d: {  	_ =	swait.ge [sflag:s2], $0xE000  }
0x20e: {  	[sflag:s2] =	ssyncset.done $0x0  }
0x20f: {  	[sflag:s2] =	ssyncadd.s32 $0xFFFF2000  }
0x210: {  	_ =	swait.ge [sflag:s2], $0x1C00  }
0x211: {  	[sflag:s2] =	ssyncset.done $0x0  }
0x212: {  	[sflag:s2] =	ssyncadd.s32 $0xFFFFE400  }
0x213: {  	_ =	swait.ge [sflag:s2], $0x1C00  }
0x214: {  	[sflag:s2] =	ssyncset.done $0x0  }
0x215: {  	[sflag:s2] =	ssyncadd.s32 $0xFFFFE400  }
0x216: {  	_ =	swait.ge [sflag:s2], $0x1C00  }
0x217: {  	[sflag:s2] =	ssyncset.done $0x0  }
0x218: {  	[sflag:s2] =	ssyncadd.s32 $0xFFFFE400  }
0x219: {  	_ =	swait.ge [sflag:s2], $0x1C00  }
0x21a: {  	[sflag:s2] =	ssyncset.done $0x0  }
0x21b: {  	[sflag:s2] =	ssyncadd.s32 $0xFFFFE400  }
0x21c: {  	_ =	sfence.sel $0x180000  }
0x21d: {  	[bflag:$0x0] =	sbarrier.arrive $0xFFFF  }
0x21e: {  	p0 =	sne.s32 s0, $0x0;
	_ =	strace $0x90000047  }
0x21f: {  	s0 =	sadd.s32 @!p0 $0x100000, s1;
	[bflag:$0x2] =	sbarrier.arrive $0xFFFF  }
0x220: {  	[sflag:s0] =	ssyncadd.tile.s32 @!p0 $0x1;
	_ =	shalt  }
.Lfunc_end2:
_tile_overlayer_lowered:
.L_overlay_start_2:
0x221: {  	(tag) =	ssettag $0x2  }
0x222: {  	s0 =	rddreg [dreg:$0x0];
	s2 =	stileid.u32  }
0x223: {  	s1 =	rddreg [dreg:$0x1];
	p0 =	sne.s32 s2, $0x0  }
0x224: {  	s3 =	rddreg [dreg:$0x2];
	[bflag:$0x3] =	sbarrier.arrive $0xFFFF;
	s2 =	simm.s32 @!p0 $0x1C03  }
0x225: {  	[timem:s3], [sflag:s2] =	dma.local @!p0 [hbm:s0], s1  }
0x226: {  	s0 =	simm.s32 @!p0 $0x3  }
0x227: {  	_ =	swait.ge @!p0 [sflag:s0], s1  }
0x228: {  	s1 =	ssub.s32 @!p0 $0x0, s1;
	[sflag:s0] =	ssyncset.done @!p0 $0x0  }
0x229: {  	[sflag:s0] =	ssyncadd.s32 @!p0 s1  }
0x22a: {  	[bflag:$0x3] =	sbarrier.arrive $0xFFFF  }
0x22b: {  	_ =	shalt  }

</sc_bundles>
